<compile_context>
chip_gen: v7x
topology: tpu7x:2x2x1
jax: 0.10.2.dev20260603
libtpu: 0.0.44.dev20260713+nightly
codegen_flags: <defaults>
</compile_context>

<pallas_src>
import jax
import jax.numpy as jnp
from jax import lax
from jax.experimental import pallas as pl
from jax.experimental.pallas import tpu as pltpu
from jax.experimental.pallas import tpu_sc as plsc

_N = 10000
_M = 32
_D = 128
_NC = 2
_NS = 16
_NW = _NC * _NS
_NPAD = 10240
_R = _NPAD * _M
_RW = _R // _NW
_CH = 128
_G = _RW // _CH
_NCHUNK = 4
_NPC = _NPAD // _NCHUNK
_RC = _R // _NCHUNK
_GC = _RC // _NW // _CH
_NBLK = 256
_EPS = 1e-12


def _prep_body(x_ref, nb_ref, xn_ref, idx_ref):
    xb = x_ref[...]
    nrm = jnp.sqrt(jnp.sum(xb * xb, axis=1, keepdims=True))
    xn_ref[...] = xb / jnp.maximum(nrm, _EPS)
    idx_ref[...] = nb_ref[...] - 1


def _prep(x_pad, nb_pad):
    return pl.pallas_call(
        _prep_body,
        out_shape=[
            jax.ShapeDtypeStruct((_NPAD, _D), jnp.float32),
            jax.ShapeDtypeStruct((_NPAD, _M), jnp.int32),
        ],
    )(x_pad, nb_pad)


_K = 6


def _sc_gather_body(xn_hbm, idx_hbm, z_hbm, idx_v, zbuf, gsem, wsem):
    wid = lax.axis_index("s") * _NC + lax.axis_index("c")

    pltpu.sync_copy(idx_hbm.at[wid], idx_v)

    def gather(g, b):
        pltpu.async_copy(xn_hbm.at[idx_v.at[g]], zbuf.at[b], gsem)

    def gather_wait(b):
        pltpu.make_async_copy(xn_hbm.at[idx_v.at[0]], zbuf.at[b], gsem).wait()

    def write(g, b):
        pltpu.async_copy(zbuf.at[b],
                         z_hbm.at[pl.ds((wid * _GC + g) * _CH, _CH)], wsem)

    def write_wait(b):
        pltpu.make_async_copy(zbuf.at[b], z_hbm.at[pl.ds(0, _CH)], wsem).wait()

    for b in range(_K):
        gather(b, b)

    def step(g, carry):
        b = lax.rem(g, _K)
        gather_wait(b)
        write(g, b)
        prev = lax.rem(g + _K - 1, _K)

        @pl.when(g > 0)
        def _():
            write_wait(prev)

        @pl.when(jnp.logical_and(g > 0, g + _K - 1 < _GC))
        def _():
            gather(g + _K - 1, prev)
        return carry

    lax.fori_loop(0, _GC, step, 0)
    write_wait(lax.rem(_GC - 1, _K))


def _sc_gather(xn, idx2d):
    mesh = plsc.VectorSubcoreMesh(core_axis_name="c", subcore_axis_name="s")
    f = pl.kernel(
        _sc_gather_body,
        out_type=jax.ShapeDtypeStruct((_RC, _D), jnp.float32),
        mesh=mesh,
        scratch_types=[
            pltpu.VMEM((_GC, _CH), jnp.int32),
            pltpu.VMEM((_K, _CH, _D), jnp.float32),
            pltpu.SemaphoreType.DMA,
            pltpu.SemaphoreType.DMA,
        ],
        compiler_params=pltpu.CompilerParams(use_tc_tiling_on_sc=False),
    )
    return f(xn, idx2d)


def _route_body(z_ref, xn_ref, out_ref):
    z = z_ref[...].astype(jnp.float32)
    xn = xn_ref[...]
    u = jnp.mean(z, axis=1) + xn
    for _ in range(2):
        nrm2 = jnp.sum(u * u, axis=1, keepdims=True)
        squash = nrm2 / (nrm2 + 1.0)
        v = squash * u / jnp.maximum(jnp.sqrt(nrm2), _EPS)
        p = jnp.sum(z * v[:, None, :], axis=2)
        p = jax.nn.softmax(p, axis=1)
        u = jnp.sum(z * p[:, :, None], axis=1) + xn
    out_ref[...] = u


def _route(z3, xn):
    grid = (_NPC // _NBLK,)
    return pl.pallas_call(
        _route_body,
        grid=grid,
        in_specs=[
            pl.BlockSpec((_NBLK, _M, _D), lambda i: (i, 0, 0)),
            pl.BlockSpec((_NBLK, _D), lambda i: (i, 0)),
        ],
        out_specs=pl.BlockSpec((_NBLK, _D), lambda i: (i, 0)),
        out_shape=jax.ShapeDtypeStruct((_NPC, _D), jnp.float32),
        compiler_params=pltpu.CompilerParams(
            dimension_semantics=("arbitrary",)),
    )(z3, xn)


def kernel(x, x_nb):
    n, d = x.shape
    x_pad = jnp.pad(x, ((0, _NPAD - n), (0, 0)))
    nb_pad = jnp.pad(x_nb, ((0, _NPAD - n), (0, 0)), constant_values=1)
    xn, idx = _prep(x_pad, nb_pad)
    idx2d = idx.reshape(_R // _CH, _CH)
    us = []
    for c in range(_NCHUNK):
        rows = idx2d[c * (_RC // _CH):(c + 1) * (_RC // _CH)].reshape(
            _NW, _GC, _CH)
        z = _sc_gather(xn, rows)
        us.append(_route(z.reshape(_NPC, _M, _D),
                         xn[c * _NPC:(c + 1) * _NPC]))
    u = jnp.concatenate(us, axis=0)
    return u[:n]

# --- scband reference (transcript-rebuilt; emitter-appended) ---
"""Pipeline reference for scband-neighbor-routing-agg-65025804861640 (READ-ONLY COPY).

The authoritative reference and input builder live on the scoring server;
editing this copy changes nothing except your own understanding.
"""

import jax, jax.numpy as jnp
import numpy as np

N = 10000
M = 32
D = 128
ROUTING_ITER = 3


def _normalize(v, axis=1, eps=1e-12):
    nrm = jnp.linalg.norm(v, axis=axis, keepdims=True)
    return v / jnp.maximum(nrm, eps)


def setup_inputs(seed: int = 0) -> dict:
    key = jax.random.key(seed)
    k1, k2 = jax.random.split(key)
    x = jax.random.normal(k1, (N, D), dtype=jnp.float32)
    # x_nb holds 1-based neighbor ids (forward computes x[x_nb - 1])
    x_nb = jax.random.randint(k2, (N, M), 1, N + 1, dtype=jnp.int32)
    return {"x": x, "x_nb": x_nb}


def reference(x, x_nb):
    n, m = x_nb.shape
    d = x.shape[1]
    xn = _normalize(x, axis=1)
    # gather neighbor features: [n, m, d]
    z = jnp.take(xn, x_nb - 1, axis=0)
    u = None
    for clus_iter in range(ROUTING_ITER):
        if u is None:
            p = jnp.zeros((n, m), dtype=x.dtype)
        else:
            p = jnp.sum(z * u[:, None, :], axis=2)
        p = jax.nn.softmax(p, axis=1)
        u = jnp.sum(z * p[:, :, None], axis=1)
        u = u + xn
        if clus_iter < ROUTING_ITER - 1:
            nrm2 = jnp.sum(u * u, axis=1)
            squash = nrm2 / (nrm2 + 1.0)
            u = squash[:, None] * _normalize(u, axis=1)
    return u.reshape(n, d)

if __name__ == "__main__":
    import jax
    _d = setup_inputs()
    print(jax.jit(kernel)(*tuple(_d.values())))

</pallas_src>

<mosaic_0001>
#map = affine_map<(d0, d1) -> (0, 0)>
#map1 = affine_map<(d0, d1) -> (0, 0, 0)>
module attributes {stable_mosaic.version = 14 : i64} {
  func.func @_sc_gather_body(%arg0: i32, %arg1: i32, %arg2: memref<10240x128xf32, #tpu.memory_space<hbm>>, %arg3: memref<32x20x128xi32, #tpu.memory_space<hbm>>, %arg4: memref<81920x128xf32, #tpu.memory_space<hbm>>, %arg5: memref<20x128xi32, #tpu.memory_space<vmem>>, %arg6: memref<6x128x128xf32, #tpu.memory_space<vmem>>, %arg7: memref<!tpu.dma_semaphore, #tpu.memory_space<semaphore_mem>>, %arg8: memref<!tpu.dma_semaphore, #tpu.memory_space<semaphore_mem>>) attributes {dimension_semantics = [#tpu.dimension_semantics<core_parallel>, #tpu.dimension_semantics<subcore_parallel>], iteration_bounds = array<i64: 2, 16>, scalar_prefetch = 0 : i64, scratch_operands = 4 : i64, tpu.core_type = #tpu.core_type<sc_vector_subcore>, window_params = [{transform_indices = #map}, {transform_indices = #map1}, {transform_indices = #map}]} {
    %mul3A = arith.constant 2 : i32
    %mul3A_0 = arith.muli %arg1, %mul3A : i32
    %add3A = arith.addi %mul3A_0, %arg0 : i32
    "tpu.region"() ({
      %run_scoped3A = tpu.sem_alloc : memref<!tpu.dma_semaphore, #tpu.memory_space<semaphore_mem>>
      %dma_start3A_92 = arith.constant 0 : i32
      %dma_start3A_93 = arith.constant 0 : i32
      %dma_start3A_94 = tpu.memref_slice %arg3[%add3A, %dma_start3A_92, %dma_start3A_93] : memref<32x20x128xi32, #tpu.memory_space<hbm>> -> memref<1x20x128xi32, #tpu.memory_space<hbm>>
      %dma_start3A_95 = tpu.memref_squeeze %dma_start3A_94 : memref<1x20x128xi32, #tpu.memory_space<hbm>> -> memref<20x128xi32, #tpu.memory_space<hbm>>
      %dma_start3A_96 = arith.constant 0 : i32
      %dma_start3A_97 = arith.constant 0 : i32
      %dma_start3A_98 = tpu.memref_slice %arg3[%add3A, %dma_start3A_96, %dma_start3A_97] : memref<32x20x128xi32, #tpu.memory_space<hbm>> -> memref<1x20x128xi32, #tpu.memory_space<hbm>>
      %dma_start3A_99 = tpu.memref_squeeze %dma_start3A_98 : memref<1x20x128xi32, #tpu.memory_space<hbm>> -> memref<20x128xi32, #tpu.memory_space<hbm>>
      tpu.enqueue_dma source(%dma_start3A_99 : memref<20x128xi32, #tpu.memory_space<hbm>>) target(%arg5 : memref<20x128xi32, #tpu.memory_space<vmem>>) target_semaphore(%run_scoped3A : memref<!tpu.dma_semaphore, #tpu.memory_space<semaphore_mem>>)
      %dma_wait3A_100 = arith.constant 0 : i32
      %dma_wait3A_101 = arith.constant 0 : i32
      %dma_wait3A_102 = tpu.memref_slice %arg3[%add3A, %dma_wait3A_100, %dma_wait3A_101] : memref<32x20x128xi32, #tpu.memory_space<hbm>> -> memref<1x20x128xi32, #tpu.memory_space<hbm>>
      %dma_wait3A_103 = tpu.memref_squeeze %dma_wait3A_102 : memref<1x20x128xi32, #tpu.memory_space<hbm>> -> memref<20x128xi32, #tpu.memory_space<hbm>>
      %dma_wait3A_104 = arith.constant 0 : i32
      %dma_wait3A_105 = arith.constant 0 : i32
      %dma_wait3A_106 = tpu.memref_slice %arg3[%add3A, %dma_wait3A_104, %dma_wait3A_105] : memref<32x20x128xi32, #tpu.memory_space<hbm>> -> memref<1x20x128xi32, #tpu.memory_space<hbm>>
      %dma_wait3A_107 = tpu.memref_squeeze %dma_wait3A_106 : memref<1x20x128xi32, #tpu.memory_space<hbm>> -> memref<20x128xi32, #tpu.memory_space<hbm>>
      tpu.wait_dma2 semaphore(%run_scoped3A : memref<!tpu.dma_semaphore, #tpu.memory_space<semaphore_mem>>) src(%dma_wait3A_107 : memref<20x128xi32, #tpu.memory_space<hbm>>) dst(%arg5 : memref<20x128xi32, #tpu.memory_space<vmem>>)
      tpu.yield
    }) : () -> ()
    %dma_start3A = arith.constant 0 : i32
    %dma_start3A_1 = arith.constant 0 : i32
    %dma_start3A_2 = arith.constant 0 : i32
    %dma_start3A_3 = arith.constant 0 : i32
    %dma_start3A_4 = tpu.memref_slice %arg6[%dma_start3A_1, %dma_start3A_2, %dma_start3A_3] : memref<6x128x128xf32, #tpu.memory_space<vmem>> -> memref<1x128x128xf32, #tpu.memory_space<vmem>>
    %dma_start3A_5 = tpu.memref_squeeze %dma_start3A_4 : memref<1x128x128xf32, #tpu.memory_space<vmem>> -> memref<128x128xf32, #tpu.memory_space<vmem>>
    %dma_start3A_6 = arith.constant 0 : i32
    %dma_start3A_7 = tpu.memref_slice %arg5[%dma_start3A, %dma_start3A_6] : memref<20x128xi32, #tpu.memory_space<vmem>> -> memref<1x128xi32, #tpu.memory_space<vmem>>
    %dma_start3A_8 = tpu.memref_squeeze %dma_start3A_7 : memref<1x128xi32, #tpu.memory_space<vmem>> -> memref<128xi32, #tpu.memory_space<vmem>>
    %dma_start3A_9 = arith.constant 0 : i32
    %dma_start3A_10 = arith.constant 0 : i32
    %dma_start3A_11 = tpu.memref_slice %arg2[%dma_start3A_9, %dma_start3A_10] : memref<10240x128xf32, #tpu.memory_space<hbm>> -> memref<10240x128xf32, #tpu.memory_space<hbm>>
    tpu.enqueue_indirect_dma source(%dma_start3A_11 : memref<10240x128xf32, #tpu.memory_space<hbm>>) target(%dma_start3A_5 : memref<128x128xf32, #tpu.memory_space<vmem>>) offsets(%dma_start3A_8 : memref<128xi32, #tpu.memory_space<vmem>>) semaphore(%arg7 : memref<!tpu.dma_semaphore, #tpu.memory_space<semaphore_mem>>)
    %dma_start3A_12 = arith.constant 1 : i32
    %dma_start3A_13 = arith.constant 1 : i32
    %dma_start3A_14 = arith.constant 0 : i32
    %dma_start3A_15 = arith.constant 0 : i32
    %dma_start3A_16 = tpu.memref_slice %arg6[%dma_start3A_13, %dma_start3A_14, %dma_start3A_15] : memref<6x128x128xf32, #tpu.memory_space<vmem>> -> memref<1x128x128xf32, #tpu.memory_space<vmem>>
    %dma_start3A_17 = tpu.memref_squeeze %dma_start3A_16 : memref<1x128x128xf32, #tpu.memory_space<vmem>> -> memref<128x128xf32, #tpu.memory_space<vmem>>
    %dma_start3A_18 = arith.constant 0 : i32
    %dma_start3A_19 = tpu.memref_slice %arg5[%dma_start3A_12, %dma_start3A_18] : memref<20x128xi32, #tpu.memory_space<vmem>> -> memref<1x128xi32, #tpu.memory_space<vmem>>
    %dma_start3A_20 = tpu.memref_squeeze %dma_start3A_19 : memref<1x128xi32, #tpu.memory_space<vmem>> -> memref<128xi32, #tpu.memory_space<vmem>>
    %dma_start3A_21 = arith.constant 0 : i32
    %dma_start3A_22 = arith.constant 0 : i32
    %dma_start3A_23 = tpu.memref_slice %arg2[%dma_start3A_21, %dma_start3A_22] : memref<10240x128xf32, #tpu.memory_space<hbm>> -> memref<10240x128xf32, #tpu.memory_space<hbm>>
    tpu.enqueue_indirect_dma source(%dma_start3A_23 : memref<10240x128xf32, #tpu.memory_space<hbm>>) target(%dma_start3A_17 : memref<128x128xf32, #tpu.memory_space<vmem>>) offsets(%dma_start3A_20 : memref<128xi32, #tpu.memory_space<vmem>>) semaphore(%arg7 : memref<!tpu.dma_semaphore, #tpu.memory_space<semaphore_mem>>)
    %dma_start3A_24 = arith.constant 2 : i32
    %dma_start3A_25 = arith.constant 2 : i32
    %dma_start3A_26 = arith.constant 0 : i32
    %dma_start3A_27 = arith.constant 0 : i32
    %dma_start3A_28 = tpu.memref_slice %arg6[%dma_start3A_25, %dma_start3A_26, %dma_start3A_27] : memref<6x128x128xf32, #tpu.memory_space<vmem>> -> memref<1x128x128xf32, #tpu.memory_space<vmem>>
    %dma_start3A_29 = tpu.memref_squeeze %dma_start3A_28 : memref<1x128x128xf32, #tpu.memory_space<vmem>> -> memref<128x128xf32, #tpu.memory_space<vmem>>
    %dma_start3A_30 = arith.constant 0 : i32
    %dma_start3A_31 = tpu.memref_slice %arg5[%dma_start3A_24, %dma_start3A_30] : memref<20x128xi32, #tpu.memory_space<vmem>> -> memref<1x128xi32, #tpu.memory_space<vmem>>
    %dma_start3A_32 = tpu.memref_squeeze %dma_start3A_31 : memref<1x128xi32, #tpu.memory_space<vmem>> -> memref<128xi32, #tpu.memory_space<vmem>>
    %dma_start3A_33 = arith.constant 0 : i32
    %dma_start3A_34 = arith.constant 0 : i32
    %dma_start3A_35 = tpu.memref_slice %arg2[%dma_start3A_33, %dma_start3A_34] : memref<10240x128xf32, #tpu.memory_space<hbm>> -> memref<10240x128xf32, #tpu.memory_space<hbm>>
    tpu.enqueue_indirect_dma source(%dma_start3A_35 : memref<10240x128xf32, #tpu.memory_space<hbm>>) target(%dma_start3A_29 : memref<128x128xf32, #tpu.memory_space<vmem>>) offsets(%dma_start3A_32 : memref<128xi32, #tpu.memory_space<vmem>>) semaphore(%arg7 : memref<!tpu.dma_semaphore, #tpu.memory_space<semaphore_mem>>)
    %dma_start3A_36 = arith.constant 3 : i32
    %dma_start3A_37 = arith.constant 3 : i32
    %dma_start3A_38 = arith.constant 0 : i32
    %dma_start3A_39 = arith.constant 0 : i32
    %dma_start3A_40 = tpu.memref_slice %arg6[%dma_start3A_37, %dma_start3A_38, %dma_start3A_39] : memref<6x128x128xf32, #tpu.memory_space<vmem>> -> memref<1x128x128xf32, #tpu.memory_space<vmem>>
    %dma_start3A_41 = tpu.memref_squeeze %dma_start3A_40 : memref<1x128x128xf32, #tpu.memory_space<vmem>> -> memref<128x128xf32, #tpu.memory_space<vmem>>
    %dma_start3A_42 = arith.constant 0 : i32
    %dma_start3A_43 = tpu.memref_slice %arg5[%dma_start3A_36, %dma_start3A_42] : memref<20x128xi32, #tpu.memory_space<vmem>> -> memref<1x128xi32, #tpu.memory_space<vmem>>
    %dma_start3A_44 = tpu.memref_squeeze %dma_start3A_43 : memref<1x128xi32, #tpu.memory_space<vmem>> -> memref<128xi32, #tpu.memory_space<vmem>>
    %dma_start3A_45 = arith.constant 0 : i32
    %dma_start3A_46 = arith.constant 0 : i32
    %dma_start3A_47 = tpu.memref_slice %arg2[%dma_start3A_45, %dma_start3A_46] : memref<10240x128xf32, #tpu.memory_space<hbm>> -> memref<10240x128xf32, #tpu.memory_space<hbm>>
    tpu.enqueue_indirect_dma source(%dma_start3A_47 : memref<10240x128xf32, #tpu.memory_space<hbm>>) target(%dma_start3A_41 : memref<128x128xf32, #tpu.memory_space<vmem>>) offsets(%dma_start3A_44 : memref<128xi32, #tpu.memory_space<vmem>>) semaphore(%arg7 : memref<!tpu.dma_semaphore, #tpu.memory_space<semaphore_mem>>)
    %dma_start3A_48 = arith.constant 4 : i32
    %dma_start3A_49 = arith.constant 4 : i32
    %dma_start3A_50 = arith.constant 0 : i32
    %dma_start3A_51 = arith.constant 0 : i32
    %dma_start3A_52 = tpu.memref_slice %arg6[%dma_start3A_49, %dma_start3A_50, %dma_start3A_51] : memref<6x128x128xf32, #tpu.memory_space<vmem>> -> memref<1x128x128xf32, #tpu.memory_space<vmem>>
    %dma_start3A_53 = tpu.memref_squeeze %dma_start3A_52 : memref<1x128x128xf32, #tpu.memory_space<vmem>> -> memref<128x128xf32, #tpu.memory_space<vmem>>
    %dma_start3A_54 = arith.constant 0 : i32
    %dma_start3A_55 = tpu.memref_slice %arg5[%dma_start3A_48, %dma_start3A_54] : memref<20x128xi32, #tpu.memory_space<vmem>> -> memref<1x128xi32, #tpu.memory_space<vmem>>
    %dma_start3A_56 = tpu.memref_squeeze %dma_start3A_55 : memref<1x128xi32, #tpu.memory_space<vmem>> -> memref<128xi32, #tpu.memory_space<vmem>>
    %dma_start3A_57 = arith.constant 0 : i32
    %dma_start3A_58 = arith.constant 0 : i32
    %dma_start3A_59 = tpu.memref_slice %arg2[%dma_start3A_57, %dma_start3A_58] : memref<10240x128xf32, #tpu.memory_space<hbm>> -> memref<10240x128xf32, #tpu.memory_space<hbm>>
    tpu.enqueue_indirect_dma source(%dma_start3A_59 : memref<10240x128xf32, #tpu.memory_space<hbm>>) target(%dma_start3A_53 : memref<128x128xf32, #tpu.memory_space<vmem>>) offsets(%dma_start3A_56 : memref<128xi32, #tpu.memory_space<vmem>>) semaphore(%arg7 : memref<!tpu.dma_semaphore, #tpu.memory_space<semaphore_mem>>)
    %dma_start3A_60 = arith.constant 5 : i32
    %dma_start3A_61 = arith.constant 5 : i32
    %dma_start3A_62 = arith.constant 0 : i32
    %dma_start3A_63 = arith.constant 0 : i32
    %dma_start3A_64 = tpu.memref_slice %arg6[%dma_start3A_61, %dma_start3A_62, %dma_start3A_63] : memref<6x128x128xf32, #tpu.memory_space<vmem>> -> memref<1x128x128xf32, #tpu.memory_space<vmem>>
    %dma_start3A_65 = tpu.memref_squeeze %dma_start3A_64 : memref<1x128x128xf32, #tpu.memory_space<vmem>> -> memref<128x128xf32, #tpu.memory_space<vmem>>
    %dma_start3A_66 = arith.constant 0 : i32
    %dma_start3A_67 = tpu.memref_slice %arg5[%dma_start3A_60, %dma_start3A_66] : memref<20x128xi32, #tpu.memory_space<vmem>> -> memref<1x128xi32, #tpu.memory_space<vmem>>
    %dma_start3A_68 = tpu.memref_squeeze %dma_start3A_67 : memref<1x128xi32, #tpu.memory_space<vmem>> -> memref<128xi32, #tpu.memory_space<vmem>>
    %dma_start3A_69 = arith.constant 0 : i32
    %dma_start3A_70 = arith.constant 0 : i32
    %dma_start3A_71 = tpu.memref_slice %arg2[%dma_start3A_69, %dma_start3A_70] : memref<10240x128xf32, #tpu.memory_space<hbm>> -> memref<10240x128xf32, #tpu.memory_space<hbm>>
    tpu.enqueue_indirect_dma source(%dma_start3A_71 : memref<10240x128xf32, #tpu.memory_space<hbm>>) target(%dma_start3A_65 : memref<128x128xf32, #tpu.memory_space<vmem>>) offsets(%dma_start3A_68 : memref<128xi32, #tpu.memory_space<vmem>>) semaphore(%arg7 : memref<!tpu.dma_semaphore, #tpu.memory_space<semaphore_mem>>)
    %scan3A = arith.constant 0 : i32
    %scan3A_72 = arith.constant 0 : i32
    %scan3A_73 = arith.constant 20 : i32
    %scan3A_74 = arith.addi %scan3A_72, %scan3A_73 : i32
    %scan3A_75 = arith.constant 1 : i32
    scf.for %scan3A_92 = %scan3A_72 to %scan3A_74 step %scan3A_75  : i32 {
      %rem3A_93 = arith.constant 6 : i32
      %rem3A_94 = arith.remsi %scan3A_92, %rem3A_93 : i32
      %dma_wait3A_95 = arith.constant 0 : i32
      %dma_wait3A_96 = arith.constant 0 : i32
      %dma_wait3A_97 = arith.constant 0 : i32
      %dma_wait3A_98 = tpu.memref_slice %arg6[%rem3A_94, %dma_wait3A_96, %dma_wait3A_97] : memref<6x128x128xf32, #tpu.memory_space<vmem>> -> memref<1x128x128xf32, #tpu.memory_space<vmem>>
      %dma_wait3A_99 = tpu.memref_squeeze %dma_wait3A_98 : memref<1x128x128xf32, #tpu.memory_space<vmem>> -> memref<128x128xf32, #tpu.memory_space<vmem>>
      %dma_wait3A_100 = arith.constant 0 : i32
      %dma_wait3A_101 = tpu.memref_slice %arg5[%dma_wait3A_95, %dma_wait3A_100] : memref<20x128xi32, #tpu.memory_space<vmem>> -> memref<1x128xi32, #tpu.memory_space<vmem>>
      %dma_wait3A_102 = tpu.memref_squeeze %dma_wait3A_101 : memref<1x128xi32, #tpu.memory_space<vmem>> -> memref<128xi32, #tpu.memory_space<vmem>>
      %dma_wait3A_103 = arith.constant 0 : i32
      %dma_wait3A_104 = arith.constant 0 : i32
      %dma_wait3A_105 = tpu.memref_slice %arg2[%dma_wait3A_103, %dma_wait3A_104] : memref<10240x128xf32, #tpu.memory_space<hbm>> -> memref<10240x128xf32, #tpu.memory_space<hbm>>
      tpu.wait_indirect_dma semaphore(%arg7 : memref<!tpu.dma_semaphore, #tpu.memory_space<semaphore_mem>>) src(%dma_wait3A_105 : memref<10240x128xf32, #tpu.memory_space<hbm>>) dst(%dma_wait3A_99 : memref<128x128xf32, #tpu.memory_space<vmem>>)
      %mul3A_106 = arith.constant 20 : i32
      %mul3A_107 = arith.muli %add3A, %mul3A_106 : i32
      %add3A_108 = arith.addi %mul3A_107, %scan3A_92 : i32
      %mul3A_109 = arith.constant 128 : i32
      %mul3A_110 = arith.muli %add3A_108, %mul3A_109 : i32
      %dma_start3A_111 = arith.constant 0 : i32
      %dma_start3A_112 = arith.constant 0 : i32
      %dma_start3A_113 = tpu.memref_slice %arg6[%rem3A_94, %dma_start3A_111, %dma_start3A_112] : memref<6x128x128xf32, #tpu.memory_space<vmem>> -> memref<1x128x128xf32, #tpu.memory_space<vmem>>
      %dma_start3A_114 = tpu.memref_squeeze %dma_start3A_113 : memref<1x128x128xf32, #tpu.memory_space<vmem>> -> memref<128x128xf32, #tpu.memory_space<vmem>>
      %dma_start3A_115 = arith.constant 0 : i32
      %dma_start3A_116 = tpu.memref_slice %arg4[%mul3A_110, %dma_start3A_115] : memref<81920x128xf32, #tpu.memory_space<hbm>> -> memref<128x128xf32, #tpu.memory_space<hbm>>
      %dma_start3A_117 = arith.constant 0 : i32
      %dma_start3A_118 = tpu.memref_slice %arg4[%mul3A_110, %dma_start3A_117] : memref<81920x128xf32, #tpu.memory_space<hbm>> -> memref<128x128xf32, #tpu.memory_space<hbm>>
      %dma_start3A_119 = arith.constant 0 : i32
      %dma_start3A_120 = arith.constant 0 : i32
      %dma_start3A_121 = tpu.memref_slice %arg6[%rem3A_94, %dma_start3A_119, %dma_start3A_120] : memref<6x128x128xf32, #tpu.memory_space<vmem>> -> memref<1x128x128xf32, #tpu.memory_space<vmem>>
      %dma_start3A_122 = tpu.memref_squeeze %dma_start3A_121 : memref<1x128x128xf32, #tpu.memory_space<vmem>> -> memref<128x128xf32, #tpu.memory_space<vmem>>
      tpu.enqueue_dma source(%dma_start3A_122 : memref<128x128xf32, #tpu.memory_space<vmem>>) target(%dma_start3A_118 : memref<128x128xf32, #tpu.memory_space<hbm>>) target_semaphore(%arg8 : memref<!tpu.dma_semaphore, #tpu.memory_space<semaphore_mem>>)
      %add3A_123 = arith.constant 6 : i32
      %add3A_124 = arith.addi %scan3A_92, %add3A_123 : i32
      %sub3A = arith.constant 1 : i32
      %sub3A_125 = arith.subi %add3A_124, %sub3A : i32
      %rem3A_126 = arith.constant 6 : i32
      %rem3A_127 = arith.remsi %sub3A_125, %rem3A_126 : i32
      %gt3A = arith.constant 0 : i32
      %gt3A_128 = arith.cmpi sgt, %scan3A_92, %gt3A : i32
      %convert_element_type3A = arith.extui %gt3A_128 : i1 to i32
      %cond3A = arith.constant 0 : i32
      %cond3A_129 = arith.cmpi ne, %convert_element_type3A, %cond3A : i32
      scf.if %cond3A_129 {
        %dma_wait3A_140 = arith.constant 0 : i32
        %dma_wait3A_141 = arith.constant 0 : i32
        %dma_wait3A_142 = tpu.memref_slice %arg6[%rem3A_127, %dma_wait3A_140, %dma_wait3A_141] : memref<6x128x128xf32, #tpu.memory_space<vmem>> -> memref<1x128x128xf32, #tpu.memory_space<vmem>>
        %dma_wait3A_143 = tpu.memref_squeeze %dma_wait3A_142 : memref<1x128x128xf32, #tpu.memory_space<vmem>> -> memref<128x128xf32, #tpu.memory_space<vmem>>
        %dma_wait3A_144 = arith.constant 0 : i32
        %dma_wait3A_145 = arith.constant 0 : i32
        %dma_wait3A_146 = tpu.memref_slice %arg4[%dma_wait3A_144, %dma_wait3A_145] : memref<81920x128xf32, #tpu.memory_space<hbm>> -> memref<128x128xf32, #tpu.memory_space<hbm>>
        %dma_wait3A_147 = arith.constant 0 : i32
        %dma_wait3A_148 = arith.constant 0 : i32
        %dma_wait3A_149 = tpu.memref_slice %arg4[%dma_wait3A_147, %dma_wait3A_148] : memref<81920x128xf32, #tpu.memory_space<hbm>> -> memref<128x128xf32, #tpu.memory_space<hbm>>
        %dma_wait3A_150 = arith.constant 0 : i32
        %dma_wait3A_151 = arith.constant 0 : i32
        %dma_wait3A_152 = tpu.memref_slice %arg6[%rem3A_127, %dma_wait3A_150, %dma_wait3A_151] : memref<6x128x128xf32, #tpu.memory_space<vmem>> -> memref<1x128x128xf32, #tpu.memory_space<vmem>>
        %dma_wait3A_153 = tpu.memref_squeeze %dma_wait3A_152 : memref<1x128x128xf32, #tpu.memory_space<vmem>> -> memref<128x128xf32, #tpu.memory_space<vmem>>
        tpu.wait_dma2 semaphore(%arg8 : memref<!tpu.dma_semaphore, #tpu.memory_space<semaphore_mem>>) src(%dma_wait3A_153 : memref<128x128xf32, #tpu.memory_space<vmem>>) dst(%dma_wait3A_149 : memref<128x128xf32, #tpu.memory_space<hbm>>)
      } else {
      }
      %gt3A_130 = arith.constant 0 : i32
      %gt3A_131 = arith.cmpi sgt, %scan3A_92, %gt3A_130 : i32
      %add3A_132 = arith.constant 6 : i32
      %add3A_133 = arith.addi %scan3A_92, %add3A_132 : i32
      %sub3A_134 = arith.constant 1 : i32
      %sub3A_135 = arith.subi %add3A_133, %sub3A_134 : i32
      %lt3A = arith.constant 20 : i32
      %lt3A_136 = arith.cmpi slt, %sub3A_135, %lt3A : i32
      %and3A = arith.andi %gt3A_131, %lt3A_136 : i1
      %convert_element_type3A_137 = arith.extui %and3A : i1 to i32
      %cond3A_138 = arith.constant 0 : i32
      %cond3A_139 = arith.cmpi ne, %convert_element_type3A_137, %cond3A_138 : i32
      scf.if %cond3A_139 {
        %add3A_140 = arith.constant 6 : i32
        %add3A_141 = arith.addi %scan3A_92, %add3A_140 : i32
        %sub3A_142 = arith.constant 1 : i32
        %sub3A_143 = arith.subi %add3A_141, %sub3A_142 : i32
        %dma_start3A_144 = arith.constant 0 : i32
        %dma_start3A_145 = arith.constant 0 : i32
        %dma_start3A_146 = tpu.memref_slice %arg6[%rem3A_127, %dma_start3A_144, %dma_start3A_145] : memref<6x128x128xf32, #tpu.memory_space<vmem>> -> memref<1x128x128xf32, #tpu.memory_space<vmem>>
        %dma_start3A_147 = tpu.memref_squeeze %dma_start3A_146 : memref<1x128x128xf32, #tpu.memory_space<vmem>> -> memref<128x128xf32, #tpu.memory_space<vmem>>
        %dma_start3A_148 = arith.constant 0 : i32
        %dma_start3A_149 = tpu.memref_slice %arg5[%sub3A_143, %dma_start3A_148] : memref<20x128xi32, #tpu.memory_space<vmem>> -> memref<1x128xi32, #tpu.memory_space<vmem>>
        %dma_start3A_150 = tpu.memref_squeeze %dma_start3A_149 : memref<1x128xi32, #tpu.memory_space<vmem>> -> memref<128xi32, #tpu.memory_space<vmem>>
        %dma_start3A_151 = arith.constant 0 : i32
        %dma_start3A_152 = arith.constant 0 : i32
        %dma_start3A_153 = tpu.memref_slice %arg2[%dma_start3A_151, %dma_start3A_152] : memref<10240x128xf32, #tpu.memory_space<hbm>> -> memref<10240x128xf32, #tpu.memory_space<hbm>>
        tpu.enqueue_indirect_dma source(%dma_start3A_153 : memref<10240x128xf32, #tpu.memory_space<hbm>>) target(%dma_start3A_147 : memref<128x128xf32, #tpu.memory_space<vmem>>) offsets(%dma_start3A_150 : memref<128xi32, #tpu.memory_space<vmem>>) semaphore(%arg7 : memref<!tpu.dma_semaphore, #tpu.memory_space<semaphore_mem>>)
      } else {
      }
    }
    %scan3A_76 = arith.constant 20 : i32
    %rem3A = arith.constant 19 : i32
    %rem3A_77 = arith.constant 6 : i32
    %rem3A_78 = arith.remsi %rem3A, %rem3A_77 : i32
    %dma_wait3A = arith.constant 0 : i32
    %dma_wait3A_79 = arith.constant 0 : i32
    %dma_wait3A_80 = tpu.memref_slice %arg6[%rem3A_78, %dma_wait3A, %dma_wait3A_79] : memref<6x128x128xf32, #tpu.memory_space<vmem>> -> memref<1x128x128xf32, #tpu.memory_space<vmem>>
    %dma_wait3A_81 = tpu.memref_squeeze %dma_wait3A_80 : memref<1x128x128xf32, #tpu.memory_space<vmem>> -> memref<128x128xf32, #tpu.memory_space<vmem>>
    %dma_wait3A_82 = arith.constant 0 : i32
    %dma_wait3A_83 = arith.constant 0 : i32
    %dma_wait3A_84 = tpu.memref_slice %arg4[%dma_wait3A_82, %dma_wait3A_83] : memref<81920x128xf32, #tpu.memory_space<hbm>> -> memref<128x128xf32, #tpu.memory_space<hbm>>
    %dma_wait3A_85 = arith.constant 0 : i32
    %dma_wait3A_86 = arith.constant 0 : i32
    %dma_wait3A_87 = tpu.memref_slice %arg4[%dma_wait3A_85, %dma_wait3A_86] : memref<81920x128xf32, #tpu.memory_space<hbm>> -> memref<128x128xf32, #tpu.memory_space<hbm>>
    %dma_wait3A_88 = arith.constant 0 : i32
    %dma_wait3A_89 = arith.constant 0 : i32
    %dma_wait3A_90 = tpu.memref_slice %arg6[%rem3A_78, %dma_wait3A_88, %dma_wait3A_89] : memref<6x128x128xf32, #tpu.memory_space<vmem>> -> memref<1x128x128xf32, #tpu.memory_space<vmem>>
    %dma_wait3A_91 = tpu.memref_squeeze %dma_wait3A_90 : memref<1x128x128xf32, #tpu.memory_space<vmem>> -> memref<128x128xf32, #tpu.memory_space<vmem>>
    tpu.wait_dma2 semaphore(%arg8 : memref<!tpu.dma_semaphore, #tpu.memory_space<semaphore_mem>>) src(%dma_wait3A_91 : memref<128x128xf32, #tpu.memory_space<vmem>>) dst(%dma_wait3A_87 : memref<128x128xf32, #tpu.memory_space<hbm>>)
    return
  }
}

#map = affine_map<(d0, d1) -> (0, 0)>
#map1 = affine_map<(d0, d1) -> (0, 0, 0)>
module attributes {stable_mosaic.version = 14 : i64} {
  func.func @_sc_gather_body(%arg0: i32, %arg1: i32, %arg2: memref<10240x128xf32, #tpu.memory_space<hbm>>, %arg3: memref<32x20x128xi32, #tpu.memory_space<hbm>>, %arg4: memref<81920x128xf32, #tpu.memory_space<hbm>>, %arg5: memref<20x128xi32, #tpu.memory_space<vmem>>, %arg6: memref<6x128x128xf32, #tpu.memory_space<vmem>>, %arg7: memref<!tpu.dma_semaphore, #tpu.memory_space<semaphore_mem>>, %arg8: memref<!tpu.dma_semaphore, #tpu.memory_space<semaphore_mem>>) attributes {dimension_semantics = [#tpu.dimension_semantics<core_parallel>, #tpu.dimension_semantics<subcore_parallel>], iteration_bounds = array<i64: 2, 16>, scalar_prefetch = 0 : i64, scratch_operands = 4 : i64, tpu.core_type = #tpu.core_type<sc_vector_subcore>, window_params = [{transform_indices = #map}, {transform_indices = #map1}, {transform_indices = #map}]} {
    %mul3A = arith.constant 2 : i32
    %mul3A_0 = arith.muli %arg1, %mul3A : i32
    %add3A = arith.addi %mul3A_0, %arg0 : i32
    "tpu.region"() ({
      %run_scoped3A = tpu.sem_alloc : memref<!tpu.dma_semaphore, #tpu.memory_space<semaphore_mem>>
      %dma_start3A_92 = arith.constant 0 : i32
      %dma_start3A_93 = arith.constant 0 : i32
      %dma_start3A_94 = tpu.memref_slice %arg3[%add3A, %dma_start3A_92, %dma_start3A_93] : memref<32x20x128xi32, #tpu.memory_space<hbm>> -> memref<1x20x128xi32, #tpu.memory_space<hbm>>
      %dma_start3A_95 = tpu.memref_squeeze %dma_start3A_94 : memref<1x20x128xi32, #tpu.memory_space<hbm>> -> memref<20x128xi32, #tpu.memory_space<hbm>>
      %dma_start3A_96 = arith.constant 0 : i32
      %dma_start3A_97 = arith.constant 0 : i32
      %dma_start3A_98 = tpu.memref_slice %arg3[%add3A, %dma_start3A_96, %dma_start3A_97] : memref<32x20x128xi32, #tpu.memory_space<hbm>> -> memref<1x20x128xi32, #tpu.memory_space<hbm>>
      %dma_start3A_99 = tpu.memref_squeeze %dma_start3A_98 : memref<1x20x128xi32, #tpu.memory_space<hbm>> -> memref<20x128xi32, #tpu.memory_space<hbm>>
      tpu.enqueue_dma source(%dma_start3A_99 : memref<20x128xi32, #tpu.memory_space<hbm>>) target(%arg5 : memref<20x128xi32, #tpu.memory_space<vmem>>) target_semaphore(%run_scoped3A : memref<!tpu.dma_semaphore, #tpu.memory_space<semaphore_mem>>)
      %dma_wait3A_100 = arith.constant 0 : i32
      %dma_wait3A_101 = arith.constant 0 : i32
      %dma_wait3A_102 = tpu.memref_slice %arg3[%add3A, %dma_wait3A_100, %dma_wait3A_101] : memref<32x20x128xi32, #tpu.memory_space<hbm>> -> memref<1x20x128xi32, #tpu.memory_space<hbm>>
      %dma_wait3A_103 = tpu.memref_squeeze %dma_wait3A_102 : memref<1x20x128xi32, #tpu.memory_space<hbm>> -> memref<20x128xi32, #tpu.memory_space<hbm>>
      %dma_wait3A_104 = arith.constant 0 : i32
      %dma_wait3A_105 = arith.constant 0 : i32
      %dma_wait3A_106 = tpu.memref_slice %arg3[%add3A, %dma_wait3A_104, %dma_wait3A_105] : memref<32x20x128xi32, #tpu.memory_space<hbm>> -> memref<1x20x128xi32, #tpu.memory_space<hbm>>
      %dma_wait3A_107 = tpu.memref_squeeze %dma_wait3A_106 : memref<1x20x128xi32, #tpu.memory_space<hbm>> -> memref<20x128xi32, #tpu.memory_space<hbm>>
      tpu.wait_dma2 semaphore(%run_scoped3A : memref<!tpu.dma_semaphore, #tpu.memory_space<semaphore_mem>>) src(%dma_wait3A_107 : memref<20x128xi32, #tpu.memory_space<hbm>>) dst(%arg5 : memref<20x128xi32, #tpu.memory_space<vmem>>)
      tpu.yield
    }) : () -> ()
    %dma_start3A = arith.constant 0 : i32
    %dma_start3A_1 = arith.constant 0 : i32
    %dma_start3A_2 = arith.constant 0 : i32
    %dma_start3A_3 = arith.constant 0 : i32
    %dma_start3A_4 = tpu.memref_slice %arg6[%dma_start3A_1, %dma_start3A_2, %dma_start3A_3] : memref<6x128x128xf32, #tpu.memory_space<vmem>> -> memref<1x128x128xf32, #tpu.memory_space<vmem>>
    %dma_start3A_5 = tpu.memref_squeeze %dma_start3A_4 : memref<1x128x128xf32, #tpu.memory_space<vmem>> -> memref<128x128xf32, #tpu.memory_space<vmem>>
    %dma_start3A_6 = arith.constant 0 : i32
    %dma_start3A_7 = tpu.memref_slice %arg5[%dma_start3A, %dma_start3A_6] : memref<20x128xi32, #tpu.memory_space<vmem>> -> memref<1x128xi32, #tpu.memory_space<vmem>>
    %dma_start3A_8 = tpu.memref_squeeze %dma_start3A_7 : memref<1x128xi32, #tpu.memory_space<vmem>> -> memref<128xi32, #tpu.memory_space<vmem>>
    %dma_start3A_9 = arith.constant 0 : i32
    %dma_start3A_10 = arith.constant 0 : i32
    %dma_start3A_11 = tpu.memref_slice %arg2[%dma_start3A_9, %dma_start3A_10] : memref<10240x128xf32, #tpu.memory_space<hbm>> -> memref<10240x128xf32, #tpu.memory_space<hbm>>
    tpu.enqueue_indirect_dma source(%dma_start3A_11 : memref<10240x128xf32, #tpu.memory_space<hbm>>) target(%dma_start3A_5 : memref<128x128xf32, #tpu.memory_space<vmem>>) offsets(%dma_start3A_8 : memref<128xi32, #tpu.memory_space<vmem>>) semaphore(%arg7 : memref<!tpu.dma_semaphore, #tpu.memory_space<semaphore_mem>>)
    %dma_start3A_12 = arith.constant 1 : i32
    %dma_start3A_13 = arith.constant 1 : i32
    %dma_start3A_14 = arith.constant 0 : i32
    %dma_start3A_15 = arith.constant 0 : i32
    %dma_start3A_16 = tpu.memref_slice %arg6[%dma_start3A_13, %dma_start3A_14, %dma_start3A_15] : memref<6x128x128xf32, #tpu.memory_space<vmem>> -> memref<1x128x128xf32, #tpu.memory_space<vmem>>
    %dma_start3A_17 = tpu.memref_squeeze %dma_start3A_16 : memref<1x128x128xf32, #tpu.memory_space<vmem>> -> memref<128x128xf32, #tpu.memory_space<vmem>>
    %dma_start3A_18 = arith.constant 0 : i32
    %dma_start3A_19 = tpu.memref_slice %arg5[%dma_start3A_12, %dma_start3A_18] : memref<20x128xi32, #tpu.memory_space<vmem>> -> memref<1x128xi32, #tpu.memory_space<vmem>>
    %dma_start3A_20 = tpu.memref_squeeze %dma_start3A_19 : memref<1x128xi32, #tpu.memory_space<vmem>> -> memref<128xi32, #tpu.memory_space<vmem>>
    %dma_start3A_21 = arith.constant 0 : i32
    %dma_start3A_22 = arith.constant 0 : i32
    %dma_start3A_23 = tpu.memref_slice %arg2[%dma_start3A_21, %dma_start3A_22] : memref<10240x128xf32, #tpu.memory_space<hbm>> -> memref<10240x128xf32, #tpu.memory_space<hbm>>
    tpu.enqueue_indirect_dma source(%dma_start3A_23 : memref<10240x128xf32, #tpu.memory_space<hbm>>) target(%dma_start3A_17 : memref<128x128xf32, #tpu.memory_space<vmem>>) offsets(%dma_start3A_20 : memref<128xi32, #tpu.memory_space<vmem>>) semaphore(%arg7 : memref<!tpu.dma_semaphore, #tpu.memory_space<semaphore_mem>>)
    %dma_start3A_24 = arith.constant 2 : i32
    %dma_start3A_25 = arith.constant 2 : i32
    %dma_start3A_26 = arith.constant 0 : i32
    %dma_start3A_27 = arith.constant 0 : i32
    %dma_start3A_28 = tpu.memref_slice %arg6[%dma_start3A_25, %dma_start3A_26, %dma_start3A_27] : memref<6x128x128xf32, #tpu.memory_space<vmem>> -> memref<1x128x128xf32, #tpu.memory_space<vmem>>
    %dma_start3A_29 = tpu.memref_squeeze %dma_start3A_28 : memref<1x128x128xf32, #tpu.memory_space<vmem>> -> memref<128x128xf32, #tpu.memory_space<vmem>>
    %dma_start3A_30 = arith.constant 0 : i32
    %dma_start3A_31 = tpu.memref_slice %arg5[%dma_start3A_24, %dma_start3A_30] : memref<20x128xi32, #tpu.memory_space<vmem>> -> memref<1x128xi32, #tpu.memory_space<vmem>>
    %dma_start3A_32 = tpu.memref_squeeze %dma_start3A_31 : memref<1x128xi32, #tpu.memory_space<vmem>> -> memref<128xi32, #tpu.memory_space<vmem>>
    %dma_start3A_33 = arith.constant 0 : i32
    %dma_start3A_34 = arith.constant 0 : i32
    %dma_start3A_35 = tpu.memref_slice %arg2[%dma_start3A_33, %dma_start3A_34] : memref<10240x128xf32, #tpu.memory_space<hbm>> -> memref<10240x128xf32, #tpu.memory_space<hbm>>
    tpu.enqueue_indirect_dma source(%dma_start3A_35 : memref<10240x128xf32, #tpu.memory_space<hbm>>) target(%dma_start3A_29 : memref<128x128xf32, #tpu.memory_space<vmem>>) offsets(%dma_start3A_32 : memref<128xi32, #tpu.memory_space<vmem>>) semaphore(%arg7 : memref<!tpu.dma_semaphore, #tpu.memory_space<semaphore_mem>>)
    %dma_start3A_36 = arith.constant 3 : i32
    %dma_start3A_37 = arith.constant 3 : i32
    %dma_start3A_38 = arith.constant 0 : i32
    %dma_start3A_39 = arith.constant 0 : i32
    %dma_start3A_40 = tpu.memref_slice %arg6[%dma_start3A_37, %dma_start3A_38, %dma_start3A_39] : memref<6x128x128xf32, #tpu.memory_space<vmem>> -> memref<1x128x128xf32, #tpu.memory_space<vmem>>
    %dma_start3A_41 = tpu.memref_squeeze %dma_start3A_40 : memref<1x128x128xf32, #tpu.memory_space<vmem>> -> memref<128x128xf32, #tpu.memory_space<vmem>>
    %dma_start3A_42 = arith.constant 0 : i32
    %dma_start3A_43 = tpu.memref_slice %arg5[%dma_start3A_36, %dma_start3A_42] : memref<20x128xi32, #tpu.memory_space<vmem>> -> memref<1x128xi32, #tpu.memory_space<vmem>>
    %dma_start3A_44 = tpu.memref_squeeze %dma_start3A_43 : memref<1x128xi32, #tpu.memory_space<vmem>> -> memref<128xi32, #tpu.memory_space<vmem>>
    %dma_start3A_45 = arith.constant 0 : i32
    %dma_start3A_46 = arith.constant 0 : i32
    %dma_start3A_47 = tpu.memref_slice %arg2[%dma_start3A_45, %dma_start3A_46] : memref<10240x128xf32, #tpu.memory_space<hbm>> -> memref<10240x128xf32, #tpu.memory_space<hbm>>
    tpu.enqueue_indirect_dma source(%dma_start3A_47 : memref<10240x128xf32, #tpu.memory_space<hbm>>) target(%dma_start3A_41 : memref<128x128xf32, #tpu.memory_space<vmem>>) offsets(%dma_start3A_44 : memref<128xi32, #tpu.memory_space<vmem>>) semaphore(%arg7 : memref<!tpu.dma_semaphore, #tpu.memory_space<semaphore_mem>>)
    %dma_start3A_48 = arith.constant 4 : i32
    %dma_start3A_49 = arith.constant 4 : i32
    %dma_start3A_50 = arith.constant 0 : i32
    %dma_start3A_51 = arith.constant 0 : i32
    %dma_start3A_52 = tpu.memref_slice %arg6[%dma_start3A_49, %dma_start3A_50, %dma_start3A_51] : memref<6x128x128xf32, #tpu.memory_space<vmem>> -> memref<1x128x128xf32, #tpu.memory_space<vmem>>
    %dma_start3A_53 = tpu.memref_squeeze %dma_start3A_52 : memref<1x128x128xf32, #tpu.memory_space<vmem>> -> memref<128x128xf32, #tpu.memory_space<vmem>>
    %dma_start3A_54 = arith.constant 0 : i32
    %dma_start3A_55 = tpu.memref_slice %arg5[%dma_start3A_48, %dma_start3A_54] : memref<20x128xi32, #tpu.memory_space<vmem>> -> memref<1x128xi32, #tpu.memory_space<vmem>>
    %dma_start3A_56 = tpu.memref_squeeze %dma_start3A_55 : memref<1x128xi32, #tpu.memory_space<vmem>> -> memref<128xi32, #tpu.memory_space<vmem>>
    %dma_start3A_57 = arith.constant 0 : i32
    %dma_start3A_58 = arith.constant 0 : i32
    %dma_start3A_59 = tpu.memref_slice %arg2[%dma_start3A_57, %dma_start3A_58] : memref<10240x128xf32, #tpu.memory_space<hbm>> -> memref<10240x128xf32, #tpu.memory_space<hbm>>
    tpu.enqueue_indirect_dma source(%dma_start3A_59 : memref<10240x128xf32, #tpu.memory_space<hbm>>) target(%dma_start3A_53 : memref<128x128xf32, #tpu.memory_space<vmem>>) offsets(%dma_start3A_56 : memref<128xi32, #tpu.memory_space<vmem>>) semaphore(%arg7 : memref<!tpu.dma_semaphore, #tpu.memory_space<semaphore_mem>>)
    %dma_start3A_60 = arith.constant 5 : i32
    %dma_start3A_61 = arith.constant 5 : i32
    %dma_start3A_62 = arith.constant 0 : i32
    %dma_start3A_63 = arith.constant 0 : i32
    %dma_start3A_64 = tpu.memref_slice %arg6[%dma_start3A_61, %dma_start3A_62, %dma_start3A_63] : memref<6x128x128xf32, #tpu.memory_space<vmem>> -> memref<1x128x128xf32, #tpu.memory_space<vmem>>
    %dma_start3A_65 = tpu.memref_squeeze %dma_start3A_64 : memref<1x128x128xf32, #tpu.memory_space<vmem>> -> memref<128x128xf32, #tpu.memory_space<vmem>>
    %dma_start3A_66 = arith.constant 0 : i32
    %dma_start3A_67 = tpu.memref_slice %arg5[%dma_start3A_60, %dma_start3A_66] : memref<20x128xi32, #tpu.memory_space<vmem>> -> memref<1x128xi32, #tpu.memory_space<vmem>>
    %dma_start3A_68 = tpu.memref_squeeze %dma_start3A_67 : memref<1x128xi32, #tpu.memory_space<vmem>> -> memref<128xi32, #tpu.memory_space<vmem>>
    %dma_start3A_69 = arith.constant 0 : i32
    %dma_start3A_70 = arith.constant 0 : i32
    %dma_start3A_71 = tpu.memref_slice %arg2[%dma_start3A_69, %dma_start3A_70] : memref<10240x128xf32, #tpu.memory_space<hbm>> -> memref<10240x128xf32, #tpu.memory_space<hbm>>
    tpu.enqueue_indirect_dma source(%dma_start3A_71 : memref<10240x128xf32, #tpu.memory_space<hbm>>) target(%dma_start3A_65 : memref<128x128xf32, #tpu.memory_space<vmem>>) offsets(%dma_start3A_68 : memref<128xi32, #tpu.memory_space<vmem>>) semaphore(%arg7 : memref<!tpu.dma_semaphore, #tpu.memory_space<semaphore_mem>>)
    %scan3A = arith.constant 0 : i32
    %scan3A_72 = arith.constant 0 : i32
    %scan3A_73 = arith.constant 20 : i32
    %scan3A_74 = arith.addi %scan3A_72, %scan3A_73 : i32
    %scan3A_75 = arith.constant 1 : i32
    scf.for %scan3A_92 = %scan3A_72 to %scan3A_74 step %scan3A_75  : i32 {
      %rem3A_93 = arith.constant 6 : i32
      %rem3A_94 = arith.remsi %scan3A_92, %rem3A_93 : i32
      %dma_wait3A_95 = arith.constant 0 : i32
      %dma_wait3A_96 = arith.constant 0 : i32
      %dma_wait3A_97 = arith.constant 0 : i32
      %dma_wait3A_98 = tpu.memref_slice %arg6[%rem3A_94, %dma_wait3A_96, %dma_wait3A_97] : memref<6x128x128xf32, #tpu.memory_space<vmem>> -> memref<1x128x128xf32, #tpu.memory_space<vmem>>
      %dma_wait3A_99 = tpu.memref_squeeze %dma_wait3A_98 : memref<1x128x128xf32, #tpu.memory_space<vmem>> -> memref<128x128xf32, #tpu.memory_space<vmem>>
      %dma_wait3A_100 = arith.constant 0 : i32
      %dma_wait3A_101 = tpu.memref_slice %arg5[%dma_wait3A_95, %dma_wait3A_100] : memref<20x128xi32, #tpu.memory_space<vmem>> -> memref<1x128xi32, #tpu.memory_space<vmem>>
      %dma_wait3A_102 = tpu.memref_squeeze %dma_wait3A_101 : memref<1x128xi32, #tpu.memory_space<vmem>> -> memref<128xi32, #tpu.memory_space<vmem>>
      %dma_wait3A_103 = arith.constant 0 : i32
      %dma_wait3A_104 = arith.constant 0 : i32
      %dma_wait3A_105 = tpu.memref_slice %arg2[%dma_wait3A_103, %dma_wait3A_104] : memref<10240x128xf32, #tpu.memory_space<hbm>> -> memref<10240x128xf32, #tpu.memory_space<hbm>>
      tpu.wait_indirect_dma semaphore(%arg7 : memref<!tpu.dma_semaphore, #tpu.memory_space<semaphore_mem>>) src(%dma_wait3A_105 : memref<10240x128xf32, #tpu.memory_space<hbm>>) dst(%dma_wait3A_99 : memref<128x128xf32, #tpu.memory_space<vmem>>)
      %mul3A_106 = arith.constant 20 : i32
      %mul3A_107 = arith.muli %add3A, %mul3A_106 : i32
      %add3A_108 = arith.addi %mul3A_107, %scan3A_92 : i32
      %mul3A_109 = arith.constant 128 : i32
      %mul3A_110 = arith.muli %add3A_108, %mul3A_109 : i32
      %dma_start3A_111 = arith.constant 0 : i32
      %dma_start3A_112 = arith.constant 0 : i32
      %dma_start3A_113 = tpu.memref_slice %arg6[%rem3A_94, %dma_start3A_111, %dma_start3A_112] : memref<6x128x128xf32, #tpu.memory_space<vmem>> -> memref<1x128x128xf32, #tpu.memory_space<vmem>>
      %dma_start3A_114 = tpu.memref_squeeze %dma_start3A_113 : memref<1x128x128xf32, #tpu.memory_space<vmem>> -> memref<128x128xf32, #tpu.memory_space<vmem>>
      %dma_start3A_115 = arith.constant 0 : i32
      %dma_start3A_116 = tpu.memref_slice %arg4[%mul3A_110, %dma_start3A_115] : memref<81920x128xf32, #tpu.memory_space<hbm>> -> memref<128x128xf32, #tpu.memory_space<hbm>>
      %dma_start3A_117 = arith.constant 0 : i32
      %dma_start3A_118 = tpu.memref_slice %arg4[%mul3A_110, %dma_start3A_117] : memref<81920x128xf32, #tpu.memory_space<hbm>> -> memref<128x128xf32, #tpu.memory_space<hbm>>
      %dma_start3A_119 = arith.constant 0 : i32
      %dma_start3A_120 = arith.constant 0 : i32
      %dma_start3A_121 = tpu.memref_slice %arg6[%rem3A_94, %dma_start3A_119, %dma_start3A_120] : memref<6x128x128xf32, #tpu.memory_space<vmem>> -> memref<1x128x128xf32, #tpu.memory_space<vmem>>
      %dma_start3A_122 = tpu.memref_squeeze %dma_start3A_121 : memref<1x128x128xf32, #tpu.memory_space<vmem>> -> memref<128x128xf32, #tpu.memory_space<vmem>>
      tpu.enqueue_dma source(%dma_start3A_122 : memref<128x128xf32, #tpu.memory_space<vmem>>) target(%dma_start3A_118 : memref<128x128xf32, #tpu.memory_space<hbm>>) target_semaphore(%arg8 : memref<!tpu.dma_semaphore, #tpu.memory_space<semaphore_mem>>)
      %add3A_123 = arith.constant 6 : i32
      %add3A_124 = arith.addi %scan3A_92, %add3A_123 : i32
      %sub3A = arith.constant 1 : i32
      %sub3A_125 = arith.subi %add3A_124, %sub3A : i32
      %rem3A_126 = arith.constant 6 : i32
      %rem3A_127 = arith.remsi %sub3A_125, %rem3A_126 : i32
      %gt3A = arith.constant 0 : i32
      %gt3A_128 = arith.cmpi sgt, %scan3A_92, %gt3A : i32
      %convert_element_type3A = arith.extui %gt3A_128 : i1 to i32
      %cond3A = arith.constant 0 : i32
      %cond3A_129 = arith.cmpi ne, %convert_element_type3A, %cond3A : i32
      scf.if %cond3A_129 {
        %dma_wait3A_140 = arith.constant 0 : i32
        %dma_wait3A_141 = arith.constant 0 : i32
        %dma_wait3A_142 = tpu.memref_slice %arg6[%rem3A_127, %dma_wait3A_140, %dma_wait3A_141] : memref<6x128x128xf32, #tpu.memory_space<vmem>> -> memref<1x128x128xf32, #tpu.memory_space<vmem>>
        %dma_wait3A_143 = tpu.memref_squeeze %dma_wait3A_142 : memref<1x128x128xf32, #tpu.memory_space<vmem>> -> memref<128x128xf32, #tpu.memory_space<vmem>>
        %dma_wait3A_144 = arith.constant 0 : i32
        %dma_wait3A_145 = arith.constant 0 : i32
        %dma_wait3A_146 = tpu.memref_slice %arg4[%dma_wait3A_144, %dma_wait3A_145] : memref<81920x128xf32, #tpu.memory_space<hbm>> -> memref<128x128xf32, #tpu.memory_space<hbm>>
        %dma_wait3A_147 = arith.constant 0 : i32
        %dma_wait3A_148 = arith.constant 0 : i32
        %dma_wait3A_149 = tpu.memref_slice %arg4[%dma_wait3A_147, %dma_wait3A_148] : memref<81920x128xf32, #tpu.memory_space<hbm>> -> memref<128x128xf32, #tpu.memory_space<hbm>>
        %dma_wait3A_150 = arith.constant 0 : i32
        %dma_wait3A_151 = arith.constant 0 : i32
        %dma_wait3A_152 = tpu.memref_slice %arg6[%rem3A_127, %dma_wait3A_150, %dma_wait3A_151] : memref<6x128x128xf32, #tpu.memory_space<vmem>> -> memref<1x128x128xf32, #tpu.memory_space<vmem>>
        %dma_wait3A_153 = tpu.memref_squeeze %dma_wait3A_152 : memref<1x128x128xf32, #tpu.memory_space<vmem>> -> memref<128x128xf32, #tpu.memory_space<vmem>>
        tpu.wait_dma2 semaphore(%arg8 : memref<!tpu.dma_semaphore, #tpu.memory_space<semaphore_mem>>) src(%dma_wait3A_153 : memref<128x128xf32, #tpu.memory_space<vmem>>) dst(%dma_wait3A_149 : memref<128x128xf32, #tpu.memory_space<hbm>>)
      } else {
      }
      %gt3A_130 = arith.constant 0 : i32
      %gt3A_131 = arith.cmpi sgt, %scan3A_92, %gt3A_130 : i32
      %add3A_132 = arith.constant 6 : i32
      %add3A_133 = arith.addi %scan3A_92, %add3A_132 : i32
      %sub3A_134 = arith.constant 1 : i32
      %sub3A_135 = arith.subi %add3A_133, %sub3A_134 : i32
      %lt3A = arith.constant 20 : i32
      %lt3A_136 = arith.cmpi slt, %sub3A_135, %lt3A : i32
      %and3A = arith.andi %gt3A_131, %lt3A_136 : i1
      %convert_element_type3A_137 = arith.extui %and3A : i1 to i32
      %cond3A_138 = arith.constant 0 : i32
      %cond3A_139 = arith.cmpi ne, %convert_element_type3A_137, %cond3A_138 : i32
      scf.if %cond3A_139 {
        %add3A_140 = arith.constant 6 : i32
        %add3A_141 = arith.addi %scan3A_92, %add3A_140 : i32
        %sub3A_142 = arith.constant 1 : i32
        %sub3A_143 = arith.subi %add3A_141, %sub3A_142 : i32
        %dma_start3A_144 = arith.constant 0 : i32
        %dma_start3A_145 = arith.constant 0 : i32
        %dma_start3A_146 = tpu.memref_slice %arg6[%rem3A_127, %dma_start3A_144, %dma_start3A_145] : memref<6x128x128xf32, #tpu.memory_space<vmem>> -> memref<1x128x128xf32, #tpu.memory_space<vmem>>
        %dma_start3A_147 = tpu.memref_squeeze %dma_start3A_146 : memref<1x128x128xf32, #tpu.memory_space<vmem>> -> memref<128x128xf32, #tpu.memory_space<vmem>>
        %dma_start3A_148 = arith.constant 0 : i32
        %dma_start3A_149 = tpu.memref_slice %arg5[%sub3A_143, %dma_start3A_148] : memref<20x128xi32, #tpu.memory_space<vmem>> -> memref<1x128xi32, #tpu.memory_space<vmem>>
        %dma_start3A_150 = tpu.memref_squeeze %dma_start3A_149 : memref<1x128xi32, #tpu.memory_space<vmem>> -> memref<128xi32, #tpu.memory_space<vmem>>
        %dma_start3A_151 = arith.constant 0 : i32
        %dma_start3A_152 = arith.constant 0 : i32
        %dma_start3A_153 = tpu.memref_slice %arg2[%dma_start3A_151, %dma_start3A_152] : memref<10240x128xf32, #tpu.memory_space<hbm>> -> memref<10240x128xf32, #tpu.memory_space<hbm>>
        tpu.enqueue_indirect_dma source(%dma_start3A_153 : memref<10240x128xf32, #tpu.memory_space<hbm>>) target(%dma_start3A_147 : memref<128x128xf32, #tpu.memory_space<vmem>>) offsets(%dma_start3A_150 : memref<128xi32, #tpu.memory_space<vmem>>) semaphore(%arg7 : memref<!tpu.dma_semaphore, #tpu.memory_space<semaphore_mem>>)
      } else {
      }
    }
    %scan3A_76 = arith.constant 20 : i32
    %rem3A = arith.constant 19 : i32
    %rem3A_77 = arith.constant 6 : i32
    %rem3A_78 = arith.remsi %rem3A, %rem3A_77 : i32
    %dma_wait3A = arith.constant 0 : i32
    %dma_wait3A_79 = arith.constant 0 : i32
    %dma_wait3A_80 = tpu.memref_slice %arg6[%rem3A_78, %dma_wait3A, %dma_wait3A_79] : memref<6x128x128xf32, #tpu.memory_space<vmem>> -> memref<1x128x128xf32, #tpu.memory_space<vmem>>
    %dma_wait3A_81 = tpu.memref_squeeze %dma_wait3A_80 : memref<1x128x128xf32, #tpu.memory_space<vmem>> -> memref<128x128xf32, #tpu.memory_space<vmem>>
    %dma_wait3A_82 = arith.constant 0 : i32
    %dma_wait3A_83 = arith.constant 0 : i32
    %dma_wait3A_84 = tpu.memref_slice %arg4[%dma_wait3A_82, %dma_wait3A_83] : memref<81920x128xf32, #tpu.memory_space<hbm>> -> memref<128x128xf32, #tpu.memory_space<hbm>>
    %dma_wait3A_85 = arith.constant 0 : i32
    %dma_wait3A_86 = arith.constant 0 : i32
    %dma_wait3A_87 = tpu.memref_slice %arg4[%dma_wait3A_85, %dma_wait3A_86] : memref<81920x128xf32, #tpu.memory_space<hbm>> -> memref<128x128xf32, #tpu.memory_space<hbm>>
    %dma_wait3A_88 = arith.constant 0 : i32
    %dma_wait3A_89 = arith.constant 0 : i32
    %dma_wait3A_90 = tpu.memref_slice %arg6[%rem3A_78, %dma_wait3A_88, %dma_wait3A_89] : memref<6x128x128xf32, #tpu.memory_space<vmem>> -> memref<1x128x128xf32, #tpu.memory_space<vmem>>
    %dma_wait3A_91 = tpu.memref_squeeze %dma_wait3A_90 : memref<1x128x128xf32, #tpu.memory_space<vmem>> -> memref<128x128xf32, #tpu.memory_space<vmem>>
    tpu.wait_dma2 semaphore(%arg8 : memref<!tpu.dma_semaphore, #tpu.memory_space<semaphore_mem>>) src(%dma_wait3A_91 : memref<128x128xf32, #tpu.memory_space<vmem>>) dst(%dma_wait3A_87 : memref<128x128xf32, #tpu.memory_space<hbm>>)
    return
  }
}

#map = affine_map<(d0, d1) -> (0, 0)>
#map1 = affine_map<(d0, d1) -> (0, 0, 0)>
module attributes {stable_mosaic.version = 14 : i64} {
  func.func @_sc_gather_body(%arg0: i32, %arg1: i32, %arg2: memref<10240x128xf32, #tpu.memory_space<hbm>>, %arg3: memref<32x20x128xi32, #tpu.memory_space<hbm>>, %arg4: memref<81920x128xf32, #tpu.memory_space<hbm>>, %arg5: memref<20x128xi32, #tpu.memory_space<vmem>>, %arg6: memref<6x128x128xf32, #tpu.memory_space<vmem>>, %arg7: memref<!tpu.dma_semaphore, #tpu.memory_space<semaphore_mem>>, %arg8: memref<!tpu.dma_semaphore, #tpu.memory_space<semaphore_mem>>) attributes {dimension_semantics = [#tpu.dimension_semantics<core_parallel>, #tpu.dimension_semantics<subcore_parallel>], iteration_bounds = array<i64: 2, 16>, scalar_prefetch = 0 : i64, scratch_operands = 4 : i64, tpu.core_type = #tpu.core_type<sc_vector_subcore>, window_params = [{transform_indices = #map}, {transform_indices = #map1}, {transform_indices = #map}]} {
    %mul3A = arith.constant 2 : i32
    %mul3A_0 = arith.muli %arg1, %mul3A : i32
    %add3A = arith.addi %mul3A_0, %arg0 : i32
    "tpu.region"() ({
      %run_scoped3A = tpu.sem_alloc : memref<!tpu.dma_semaphore, #tpu.memory_space<semaphore_mem>>
      %dma_start3A_92 = arith.constant 0 : i32
      %dma_start3A_93 = arith.constant 0 : i32
      %dma_start3A_94 = tpu.memref_slice %arg3[%add3A, %dma_start3A_92, %dma_start3A_93] : memref<32x20x128xi32, #tpu.memory_space<hbm>> -> memref<1x20x128xi32, #tpu.memory_space<hbm>>
      %dma_start3A_95 = tpu.memref_squeeze %dma_start3A_94 : memref<1x20x128xi32, #tpu.memory_space<hbm>> -> memref<20x128xi32, #tpu.memory_space<hbm>>
      %dma_start3A_96 = arith.constant 0 : i32
      %dma_start3A_97 = arith.constant 0 : i32
      %dma_start3A_98 = tpu.memref_slice %arg3[%add3A, %dma_start3A_96, %dma_start3A_97] : memref<32x20x128xi32, #tpu.memory_space<hbm>> -> memref<1x20x128xi32, #tpu.memory_space<hbm>>
      %dma_start3A_99 = tpu.memref_squeeze %dma_start3A_98 : memref<1x20x128xi32, #tpu.memory_space<hbm>> -> memref<20x128xi32, #tpu.memory_space<hbm>>
      tpu.enqueue_dma source(%dma_start3A_99 : memref<20x128xi32, #tpu.memory_space<hbm>>) target(%arg5 : memref<20x128xi32, #tpu.memory_space<vmem>>) target_semaphore(%run_scoped3A : memref<!tpu.dma_semaphore, #tpu.memory_space<semaphore_mem>>)
      %dma_wait3A_100 = arith.constant 0 : i32
      %dma_wait3A_101 = arith.constant 0 : i32
      %dma_wait3A_102 = tpu.memref_slice %arg3[%add3A, %dma_wait3A_100, %dma_wait3A_101] : memref<32x20x128xi32, #tpu.memory_space<hbm>> -> memref<1x20x128xi32, #tpu.memory_space<hbm>>
      %dma_wait3A_103 = tpu.memref_squeeze %dma_wait3A_102 : memref<1x20x128xi32, #tpu.memory_space<hbm>> -> memref<20x128xi32, #tpu.memory_space<hbm>>
      %dma_wait3A_104 = arith.constant 0 : i32
      %dma_wait3A_105 = arith.constant 0 : i32
      %dma_wait3A_106 = tpu.memref_slice %arg3[%add3A, %dma_wait3A_104, %dma_wait3A_105] : memref<32x20x128xi32, #tpu.memory_space<hbm>> -> memref<1x20x128xi32, #tpu.memory_space<hbm>>
      %dma_wait3A_107 = tpu.memref_squeeze %dma_wait3A_106 : memref<1x20x128xi32, #tpu.memory_space<hbm>> -> memref<20x128xi32, #tpu.memory_space<hbm>>
      tpu.wait_dma2 semaphore(%run_scoped3A : memref<!tpu.dma_semaphore, #tpu.memory_space<semaphore_mem>>) src(%dma_wait3A_107 : memref<20x128xi32, #tpu.memory_space<hbm>>) dst(%arg5 : memref<20x128xi32, #tpu.memory_space<vmem>>)
      tpu.yield
    }) : () -> ()
    %dma_start3A = arith.constant 0 : i32
    %dma_start3A_1 = arith.constant 0 : i32
    %dma_start3A_2 = arith.constant 0 : i32
    %dma_start3A_3 = arith.constant 0 : i32
    %dma_start3A_4 = tpu.memref_slice %arg6[%dma_start3A_1, %dma_start3A_2, %dma_start3A_3] : memref<6x128x128xf32, #tpu.memory_space<vmem>> -> memref<1x128x128xf32, #tpu.memory_space<vmem>>
    %dma_start3A_5 = tpu.memref_squeeze %dma_start3A_4 : memref<1x128x128xf32, #tpu.memory_space<vmem>> -> memref<128x128xf32, #tpu.memory_space<vmem>>
    %dma_start3A_6 = arith.constant 0 : i32
    %dma_start3A_7 = tpu.memref_slice %arg5[%dma_start3A, %dma_start3A_6] : memref<20x128xi32, #tpu.memory_space<vmem>> -> memref<1x128xi32, #tpu.memory_space<vmem>>
    %dma_start3A_8 = tpu.memref_squeeze %dma_start3A_7 : memref<1x128xi32, #tpu.memory_space<vmem>> -> memref<128xi32, #tpu.memory_space<vmem>>
    %dma_start3A_9 = arith.constant 0 : i32
    %dma_start3A_10 = arith.constant 0 : i32
    %dma_start3A_11 = tpu.memref_slice %arg2[%dma_start3A_9, %dma_start3A_10] : memref<10240x128xf32, #tpu.memory_space<hbm>> -> memref<10240x128xf32, #tpu.memory_space<hbm>>
    tpu.enqueue_indirect_dma source(%dma_start3A_11 : memref<10240x128xf32, #tpu.memory_space<hbm>>) target(%dma_start3A_5 : memref<128x128xf32, #tpu.memory_space<vmem>>) offsets(%dma_start3A_8 : memref<128xi32, #tpu.memory_space<vmem>>) semaphore(%arg7 : memref<!tpu.dma_semaphore, #tpu.memory_space<semaphore_mem>>)
    %dma_start3A_12 = arith.constant 1 : i32
    %dma_start3A_13 = arith.constant 1 : i32
    %dma_start3A_14 = arith.constant 0 : i32
    %dma_start3A_15 = arith.constant 0 : i32
    %dma_start3A_16 = tpu.memref_slice %arg6[%dma_start3A_13, %dma_start3A_14, %dma_start3A_15] : memref<6x128x128xf32, #tpu.memory_space<vmem>> -> memref<1x128x128xf32, #tpu.memory_space<vmem>>
    %dma_start3A_17 = tpu.memref_squeeze %dma_start3A_16 : memref<1x128x128xf32, #tpu.memory_space<vmem>> -> memref<128x128xf32, #tpu.memory_space<vmem>>
    %dma_start3A_18 = arith.constant 0 : i32
    %dma_start3A_19 = tpu.memref_slice %arg5[%dma_start3A_12, %dma_start3A_18] : memref<20x128xi32, #tpu.memory_space<vmem>> -> memref<1x128xi32, #tpu.memory_space<vmem>>
    %dma_start3A_20 = tpu.memref_squeeze %dma_start3A_19 : memref<1x128xi32, #tpu.memory_space<vmem>> -> memref<128xi32, #tpu.memory_space<vmem>>
    %dma_start3A_21 = arith.constant 0 : i32
    %dma_start3A_22 = arith.constant 0 : i32
    %dma_start3A_23 = tpu.memref_slice %arg2[%dma_start3A_21, %dma_start3A_22] : memref<10240x128xf32, #tpu.memory_space<hbm>> -> memref<10240x128xf32, #tpu.memory_space<hbm>>
    tpu.enqueue_indirect_dma source(%dma_start3A_23 : memref<10240x128xf32, #tpu.memory_space<hbm>>) target(%dma_start3A_17 : memref<128x128xf32, #tpu.memory_space<vmem>>) offsets(%dma_start3A_20 : memref<128xi32, #tpu.memory_space<vmem>>) semaphore(%arg7 : memref<!tpu.dma_semaphore, #tpu.memory_space<semaphore_mem>>)
    %dma_start3A_24 = arith.constant 2 : i32
    %dma_start3A_25 = arith.constant 2 : i32
    %dma_start3A_26 = arith.constant 0 : i32
    %dma_start3A_27 = arith.constant 0 : i32
    %dma_start3A_28 = tpu.memref_slice %arg6[%dma_start3A_25, %dma_start3A_26, %dma_start3A_27] : memref<6x128x128xf32, #tpu.memory_space<vmem>> -> memref<1x128x128xf32, #tpu.memory_space<vmem>>
    %dma_start3A_29 = tpu.memref_squeeze %dma_start3A_28 : memref<1x128x128xf32, #tpu.memory_space<vmem>> -> memref<128x128xf32, #tpu.memory_space<vmem>>
    %dma_start3A_30 = arith.constant 0 : i32
    %dma_start3A_31 = tpu.memref_slice %arg5[%dma_start3A_24, %dma_start3A_30] : memref<20x128xi32, #tpu.memory_space<vmem>> -> memref<1x128xi32, #tpu.memory_space<vmem>>
    %dma_start3A_32 = tpu.memref_squeeze %dma_start3A_31 : memref<1x128xi32, #tpu.memory_space<vmem>> -> memref<128xi32, #tpu.memory_space<vmem>>
    %dma_start3A_33 = arith.constant 0 : i32
    %dma_start3A_34 = arith.constant 0 : i32
    %dma_start3A_35 = tpu.memref_slice %arg2[%dma_start3A_33, %dma_start3A_34] : memref<10240x128xf32, #tpu.memory_space<hbm>> -> memref<10240x128xf32, #tpu.memory_space<hbm>>
    tpu.enqueue_indirect_dma source(%dma_start3A_35 : memref<10240x128xf32, #tpu.memory_space<hbm>>) target(%dma_start3A_29 : memref<128x128xf32, #tpu.memory_space<vmem>>) offsets(%dma_start3A_32 : memref<128xi32, #tpu.memory_space<vmem>>) semaphore(%arg7 : memref<!tpu.dma_semaphore, #tpu.memory_space<semaphore_mem>>)
    %dma_start3A_36 = arith.constant 3 : i32
    %dma_start3A_37 = arith.constant 3 : i32
    %dma_start3A_38 = arith.constant 0 : i32
    %dma_start3A_39 = arith.constant 0 : i32
    %dma_start3A_40 = tpu.memref_slice %arg6[%dma_start3A_37, %dma_start3A_38, %dma_start3A_39] : memref<6x128x128xf32, #tpu.memory_space<vmem>> -> memref<1x128x128xf32, #tpu.memory_space<vmem>>
    %dma_start3A_41 = tpu.memref_squeeze %dma_start3A_40 : memref<1x128x128xf32, #tpu.memory_space<vmem>> -> memref<128x128xf32, #tpu.memory_space<vmem>>
    %dma_start3A_42 = arith.constant 0 : i32
    %dma_start3A_43 = tpu.memref_slice %arg5[%dma_start3A_36, %dma_start3A_42] : memref<20x128xi32, #tpu.memory_space<vmem>> -> memref<1x128xi32, #tpu.memory_space<vmem>>
    %dma_start3A_44 = tpu.memref_squeeze %dma_start3A_43 : memref<1x128xi32, #tpu.memory_space<vmem>> -> memref<128xi32, #tpu.memory_space<vmem>>
    %dma_start3A_45 = arith.constant 0 : i32
    %dma_start3A_46 = arith.constant 0 : i32
    %dma_start3A_47 = tpu.memref_slice %arg2[%dma_start3A_45, %dma_start3A_46] : memref<10240x128xf32, #tpu.memory_space<hbm>> -> memref<10240x128xf32, #tpu.memory_space<hbm>>
    tpu.enqueue_indirect_dma source(%dma_start3A_47 : memref<10240x128xf32, #tpu.memory_space<hbm>>) target(%dma_start3A_41 : memref<128x128xf32, #tpu.memory_space<vmem>>) offsets(%dma_start3A_44 : memref<128xi32, #tpu.memory_space<vmem>>) semaphore(%arg7 : memref<!tpu.dma_semaphore, #tpu.memory_space<semaphore_mem>>)
    %dma_start3A_48 = arith.constant 4 : i32
    %dma_start3A_49 = arith.constant 4 : i32
    %dma_start3A_50 = arith.constant 0 : i32
    %dma_start3A_51 = arith.constant 0 : i32
    %dma_start3A_52 = tpu.memref_slice %arg6[%dma_start3A_49, %dma_start3A_50, %dma_start3A_51] : memref<6x128x128xf32, #tpu.memory_space<vmem>> -> memref<1x128x128xf32, #tpu.memory_space<vmem>>
    %dma_start3A_53 = tpu.memref_squeeze %dma_start3A_52 : memref<1x128x128xf32, #tpu.memory_space<vmem>> -> memref<128x128xf32, #tpu.memory_space<vmem>>
    %dma_start3A_54 = arith.constant 0 : i32
    %dma_start3A_55 = tpu.memref_slice %arg5[%dma_start3A_48, %dma_start3A_54] : memref<20x128xi32, #tpu.memory_space<vmem>> -> memref<1x128xi32, #tpu.memory_space<vmem>>
    %dma_start3A_56 = tpu.memref_squeeze %dma_start3A_55 : memref<1x128xi32, #tpu.memory_space<vmem>> -> memref<128xi32, #tpu.memory_space<vmem>>
    %dma_start3A_57 = arith.constant 0 : i32
    %dma_start3A_58 = arith.constant 0 : i32
    %dma_start3A_59 = tpu.memref_slice %arg2[%dma_start3A_57, %dma_start3A_58] : memref<10240x128xf32, #tpu.memory_space<hbm>> -> memref<10240x128xf32, #tpu.memory_space<hbm>>
    tpu.enqueue_indirect_dma source(%dma_start3A_59 : memref<10240x128xf32, #tpu.memory_space<hbm>>) target(%dma_start3A_53 : memref<128x128xf32, #tpu.memory_space<vmem>>) offsets(%dma_start3A_56 : memref<128xi32, #tpu.memory_space<vmem>>) semaphore(%arg7 : memref<!tpu.dma_semaphore, #tpu.memory_space<semaphore_mem>>)
    %dma_start3A_60 = arith.constant 5 : i32
    %dma_start3A_61 = arith.constant 5 : i32
    %dma_start3A_62 = arith.constant 0 : i32
    %dma_start3A_63 = arith.constant 0 : i32
    %dma_start3A_64 = tpu.memref_slice %arg6[%dma_start3A_61, %dma_start3A_62, %dma_start3A_63] : memref<6x128x128xf32, #tpu.memory_space<vmem>> -> memref<1x128x128xf32, #tpu.memory_space<vmem>>
    %dma_start3A_65 = tpu.memref_squeeze %dma_start3A_64 : memref<1x128x128xf32, #tpu.memory_space<vmem>> -> memref<128x128xf32, #tpu.memory_space<vmem>>
    %dma_start3A_66 = arith.constant 0 : i32
    %dma_start3A_67 = tpu.memref_slice %arg5[%dma_start3A_60, %dma_start3A_66] : memref<20x128xi32, #tpu.memory_space<vmem>> -> memref<1x128xi32, #tpu.memory_space<vmem>>
    %dma_start3A_68 = tpu.memref_squeeze %dma_start3A_67 : memref<1x128xi32, #tpu.memory_space<vmem>> -> memref<128xi32, #tpu.memory_space<vmem>>
    %dma_start3A_69 = arith.constant 0 : i32
    %dma_start3A_70 = arith.constant 0 : i32
    %dma_start3A_71 = tpu.memref_slice %arg2[%dma_start3A_69, %dma_start3A_70] : memref<10240x128xf32, #tpu.memory_space<hbm>> -> memref<10240x128xf32, #tpu.memory_space<hbm>>
    tpu.enqueue_indirect_dma source(%dma_start3A_71 : memref<10240x128xf32, #tpu.memory_space<hbm>>) target(%dma_start3A_65 : memref<128x128xf32, #tpu.memory_space<vmem>>) offsets(%dma_start3A_68 : memref<128xi32, #tpu.memory_space<vmem>>) semaphore(%arg7 : memref<!tpu.dma_semaphore, #tpu.memory_space<semaphore_mem>>)
    %scan3A = arith.constant 0 : i32
    %scan3A_72 = arith.constant 0 : i32
    %scan3A_73 = arith.constant 20 : i32
    %scan3A_74 = arith.addi %scan3A_72, %scan3A_73 : i32
    %scan3A_75 = arith.constant 1 : i32
    scf.for %scan3A_92 = %scan3A_72 to %scan3A_74 step %scan3A_75  : i32 {
      %rem3A_93 = arith.constant 6 : i32
      %rem3A_94 = arith.remsi %scan3A_92, %rem3A_93 : i32
      %dma_wait3A_95 = arith.constant 0 : i32
      %dma_wait3A_96 = arith.constant 0 : i32
      %dma_wait3A_97 = arith.constant 0 : i32
      %dma_wait3A_98 = tpu.memref_slice %arg6[%rem3A_94, %dma_wait3A_96, %dma_wait3A_97] : memref<6x128x128xf32, #tpu.memory_space<vmem>> -> memref<1x128x128xf32, #tpu.memory_space<vmem>>
      %dma_wait3A_99 = tpu.memref_squeeze %dma_wait3A_98 : memref<1x128x128xf32, #tpu.memory_space<vmem>> -> memref<128x128xf32, #tpu.memory_space<vmem>>
      %dma_wait3A_100 = arith.constant 0 : i32
      %dma_wait3A_101 = tpu.memref_slice %arg5[%dma_wait3A_95, %dma_wait3A_100] : memref<20x128xi32, #tpu.memory_space<vmem>> -> memref<1x128xi32, #tpu.memory_space<vmem>>
      %dma_wait3A_102 = tpu.memref_squeeze %dma_wait3A_101 : memref<1x128xi32, #tpu.memory_space<vmem>> -> memref<128xi32, #tpu.memory_space<vmem>>
      %dma_wait3A_103 = arith.constant 0 : i32
      %dma_wait3A_104 = arith.constant 0 : i32
      %dma_wait3A_105 = tpu.memref_slice %arg2[%dma_wait3A_103, %dma_wait3A_104] : memref<10240x128xf32, #tpu.memory_space<hbm>> -> memref<10240x128xf32, #tpu.memory_space<hbm>>
      tpu.wait_indirect_dma semaphore(%arg7 : memref<!tpu.dma_semaphore, #tpu.memory_space<semaphore_mem>>) src(%dma_wait3A_105 : memref<10240x128xf32, #tpu.memory_space<hbm>>) dst(%dma_wait3A_99 : memref<128x128xf32, #tpu.memory_space<vmem>>)
      %mul3A_106 = arith.constant 20 : i32
      %mul3A_107 = arith.muli %add3A, %mul3A_106 : i32
      %add3A_108 = arith.addi %mul3A_107, %scan3A_92 : i32
      %mul3A_109 = arith.constant 128 : i32
      %mul3A_110 = arith.muli %add3A_108, %mul3A_109 : i32
      %dma_start3A_111 = arith.constant 0 : i32
      %dma_start3A_112 = arith.constant 0 : i32
      %dma_start3A_113 = tpu.memref_slice %arg6[%rem3A_94, %dma_start3A_111, %dma_start3A_112] : memref<6x128x128xf32, #tpu.memory_space<vmem>> -> memref<1x128x128xf32, #tpu.memory_space<vmem>>
      %dma_start3A_114 = tpu.memref_squeeze %dma_start3A_113 : memref<1x128x128xf32, #tpu.memory_space<vmem>> -> memref<128x128xf32, #tpu.memory_space<vmem>>
      %dma_start3A_115 = arith.constant 0 : i32
      %dma_start3A_116 = tpu.memref_slice %arg4[%mul3A_110, %dma_start3A_115] : memref<81920x128xf32, #tpu.memory_space<hbm>> -> memref<128x128xf32, #tpu.memory_space<hbm>>
      %dma_start3A_117 = arith.constant 0 : i32
      %dma_start3A_118 = tpu.memref_slice %arg4[%mul3A_110, %dma_start3A_117] : memref<81920x128xf32, #tpu.memory_space<hbm>> -> memref<128x128xf32, #tpu.memory_space<hbm>>
      %dma_start3A_119 = arith.constant 0 : i32
      %dma_start3A_120 = arith.constant 0 : i32
      %dma_start3A_121 = tpu.memref_slice %arg6[%rem3A_94, %dma_start3A_119, %dma_start3A_120] : memref<6x128x128xf32, #tpu.memory_space<vmem>> -> memref<1x128x128xf32, #tpu.memory_space<vmem>>
      %dma_start3A_122 = tpu.memref_squeeze %dma_start3A_121 : memref<1x128x128xf32, #tpu.memory_space<vmem>> -> memref<128x128xf32, #tpu.memory_space<vmem>>
      tpu.enqueue_dma source(%dma_start3A_122 : memref<128x128xf32, #tpu.memory_space<vmem>>) target(%dma_start3A_118 : memref<128x128xf32, #tpu.memory_space<hbm>>) target_semaphore(%arg8 : memref<!tpu.dma_semaphore, #tpu.memory_space<semaphore_mem>>)
      %add3A_123 = arith.constant 6 : i32
      %add3A_124 = arith.addi %scan3A_92, %add3A_123 : i32
      %sub3A = arith.constant 1 : i32
      %sub3A_125 = arith.subi %add3A_124, %sub3A : i32
      %rem3A_126 = arith.constant 6 : i32
      %rem3A_127 = arith.remsi %sub3A_125, %rem3A_126 : i32
      %gt3A = arith.constant 0 : i32
      %gt3A_128 = arith.cmpi sgt, %scan3A_92, %gt3A : i32
      %convert_element_type3A = arith.extui %gt3A_128 : i1 to i32
      %cond3A = arith.constant 0 : i32
      %cond3A_129 = arith.cmpi ne, %convert_element_type3A, %cond3A : i32
      scf.if %cond3A_129 {
        %dma_wait3A_140 = arith.constant 0 : i32
        %dma_wait3A_141 = arith.constant 0 : i32
        %dma_wait3A_142 = tpu.memref_slice %arg6[%rem3A_127, %dma_wait3A_140, %dma_wait3A_141] : memref<6x128x128xf32, #tpu.memory_space<vmem>> -> memref<1x128x128xf32, #tpu.memory_space<vmem>>
        %dma_wait3A_143 = tpu.memref_squeeze %dma_wait3A_142 : memref<1x128x128xf32, #tpu.memory_space<vmem>> -> memref<128x128xf32, #tpu.memory_space<vmem>>
        %dma_wait3A_144 = arith.constant 0 : i32
        %dma_wait3A_145 = arith.constant 0 : i32
        %dma_wait3A_146 = tpu.memref_slice %arg4[%dma_wait3A_144, %dma_wait3A_145] : memref<81920x128xf32, #tpu.memory_space<hbm>> -> memref<128x128xf32, #tpu.memory_space<hbm>>
        %dma_wait3A_147 = arith.constant 0 : i32
        %dma_wait3A_148 = arith.constant 0 : i32
        %dma_wait3A_149 = tpu.memref_slice %arg4[%dma_wait3A_147, %dma_wait3A_148] : memref<81920x128xf32, #tpu.memory_space<hbm>> -> memref<128x128xf32, #tpu.memory_space<hbm>>
        %dma_wait3A_150 = arith.constant 0 : i32
        %dma_wait3A_151 = arith.constant 0 : i32
        %dma_wait3A_152 = tpu.memref_slice %arg6[%rem3A_127, %dma_wait3A_150, %dma_wait3A_151] : memref<6x128x128xf32, #tpu.memory_space<vmem>> -> memref<1x128x128xf32, #tpu.memory_space<vmem>>
        %dma_wait3A_153 = tpu.memref_squeeze %dma_wait3A_152 : memref<1x128x128xf32, #tpu.memory_space<vmem>> -> memref<128x128xf32, #tpu.memory_space<vmem>>
        tpu.wait_dma2 semaphore(%arg8 : memref<!tpu.dma_semaphore, #tpu.memory_space<semaphore_mem>>) src(%dma_wait3A_153 : memref<128x128xf32, #tpu.memory_space<vmem>>) dst(%dma_wait3A_149 : memref<128x128xf32, #tpu.memory_space<hbm>>)
      } else {
      }
      %gt3A_130 = arith.constant 0 : i32
      %gt3A_131 = arith.cmpi sgt, %scan3A_92, %gt3A_130 : i32
      %add3A_132 = arith.constant 6 : i32
      %add3A_133 = arith.addi %scan3A_92, %add3A_132 : i32
      %sub3A_134 = arith.constant 1 : i32
      %sub3A_135 = arith.subi %add3A_133, %sub3A_134 : i32
      %lt3A = arith.constant 20 : i32
      %lt3A_136 = arith.cmpi slt, %sub3A_135, %lt3A : i32
      %and3A = arith.andi %gt3A_131, %lt3A_136 : i1
      %convert_element_type3A_137 = arith.extui %and3A : i1 to i32
      %cond3A_138 = arith.constant 0 : i32
      %cond3A_139 = arith.cmpi ne, %convert_element_type3A_137, %cond3A_138 : i32
      scf.if %cond3A_139 {
        %add3A_140 = arith.constant 6 : i32
        %add3A_141 = arith.addi %scan3A_92, %add3A_140 : i32
        %sub3A_142 = arith.constant 1 : i32
        %sub3A_143 = arith.subi %add3A_141, %sub3A_142 : i32
        %dma_start3A_144 = arith.constant 0 : i32
        %dma_start3A_145 = arith.constant 0 : i32
        %dma_start3A_146 = tpu.memref_slice %arg6[%rem3A_127, %dma_start3A_144, %dma_start3A_145] : memref<6x128x128xf32, #tpu.memory_space<vmem>> -> memref<1x128x128xf32, #tpu.memory_space<vmem>>
        %dma_start3A_147 = tpu.memref_squeeze %dma_start3A_146 : memref<1x128x128xf32, #tpu.memory_space<vmem>> -> memref<128x128xf32, #tpu.memory_space<vmem>>
        %dma_start3A_148 = arith.constant 0 : i32
        %dma_start3A_149 = tpu.memref_slice %arg5[%sub3A_143, %dma_start3A_148] : memref<20x128xi32, #tpu.memory_space<vmem>> -> memref<1x128xi32, #tpu.memory_space<vmem>>
        %dma_start3A_150 = tpu.memref_squeeze %dma_start3A_149 : memref<1x128xi32, #tpu.memory_space<vmem>> -> memref<128xi32, #tpu.memory_space<vmem>>
        %dma_start3A_151 = arith.constant 0 : i32
        %dma_start3A_152 = arith.constant 0 : i32
        %dma_start3A_153 = tpu.memref_slice %arg2[%dma_start3A_151, %dma_start3A_152] : memref<10240x128xf32, #tpu.memory_space<hbm>> -> memref<10240x128xf32, #tpu.memory_space<hbm>>
        tpu.enqueue_indirect_dma source(%dma_start3A_153 : memref<10240x128xf32, #tpu.memory_space<hbm>>) target(%dma_start3A_147 : memref<128x128xf32, #tpu.memory_space<vmem>>) offsets(%dma_start3A_150 : memref<128xi32, #tpu.memory_space<vmem>>) semaphore(%arg7 : memref<!tpu.dma_semaphore, #tpu.memory_space<semaphore_mem>>)
      } else {
      }
    }
    %scan3A_76 = arith.constant 20 : i32
    %rem3A = arith.constant 19 : i32
    %rem3A_77 = arith.constant 6 : i32
    %rem3A_78 = arith.remsi %rem3A, %rem3A_77 : i32
    %dma_wait3A = arith.constant 0 : i32
    %dma_wait3A_79 = arith.constant 0 : i32
    %dma_wait3A_80 = tpu.memref_slice %arg6[%rem3A_78, %dma_wait3A, %dma_wait3A_79] : memref<6x128x128xf32, #tpu.memory_space<vmem>> -> memref<1x128x128xf32, #tpu.memory_space<vmem>>
    %dma_wait3A_81 = tpu.memref_squeeze %dma_wait3A_80 : memref<1x128x128xf32, #tpu.memory_space<vmem>> -> memref<128x128xf32, #tpu.memory_space<vmem>>
    %dma_wait3A_82 = arith.constant 0 : i32
    %dma_wait3A_83 = arith.constant 0 : i32
    %dma_wait3A_84 = tpu.memref_slice %arg4[%dma_wait3A_82, %dma_wait3A_83] : memref<81920x128xf32, #tpu.memory_space<hbm>> -> memref<128x128xf32, #tpu.memory_space<hbm>>
    %dma_wait3A_85 = arith.constant 0 : i32
    %dma_wait3A_86 = arith.constant 0 : i32
    %dma_wait3A_87 = tpu.memref_slice %arg4[%dma_wait3A_85, %dma_wait3A_86] : memref<81920x128xf32, #tpu.memory_space<hbm>> -> memref<128x128xf32, #tpu.memory_space<hbm>>
    %dma_wait3A_88 = arith.constant 0 : i32
    %dma_wait3A_89 = arith.constant 0 : i32
    %dma_wait3A_90 = tpu.memref_slice %arg6[%rem3A_78, %dma_wait3A_88, %dma_wait3A_89] : memref<6x128x128xf32, #tpu.memory_space<vmem>> -> memref<1x128x128xf32, #tpu.memory_space<vmem>>
    %dma_wait3A_91 = tpu.memref_squeeze %dma_wait3A_90 : memref<1x128x128xf32, #tpu.memory_space<vmem>> -> memref<128x128xf32, #tpu.memory_space<vmem>>
    tpu.wait_dma2 semaphore(%arg8 : memref<!tpu.dma_semaphore, #tpu.memory_space<semaphore_mem>>) src(%dma_wait3A_91 : memref<128x128xf32, #tpu.memory_space<vmem>>) dst(%dma_wait3A_87 : memref<128x128xf32, #tpu.memory_space<hbm>>)
    return
  }
}

#map = affine_map<(d0, d1) -> (0, 0)>
#map1 = affine_map<(d0, d1) -> (0, 0, 0)>
module attributes {stable_mosaic.version = 14 : i64} {
  func.func @_sc_gather_body(%arg0: i32, %arg1: i32, %arg2: memref<10240x128xf32, #tpu.memory_space<hbm>>, %arg3: memref<32x20x128xi32, #tpu.memory_space<hbm>>, %arg4: memref<81920x128xf32, #tpu.memory_space<hbm>>, %arg5: memref<20x128xi32, #tpu.memory_space<vmem>>, %arg6: memref<6x128x128xf32, #tpu.memory_space<vmem>>, %arg7: memref<!tpu.dma_semaphore, #tpu.memory_space<semaphore_mem>>, %arg8: memref<!tpu.dma_semaphore, #tpu.memory_space<semaphore_mem>>) attributes {dimension_semantics = [#tpu.dimension_semantics<core_parallel>, #tpu.dimension_semantics<subcore_parallel>], iteration_bounds = array<i64: 2, 16>, scalar_prefetch = 0 : i64, scratch_operands = 4 : i64, tpu.core_type = #tpu.core_type<sc_vector_subcore>, window_params = [{transform_indices = #map}, {transform_indices = #map1}, {transform_indices = #map}]} {
    %mul3A = arith.constant 2 : i32
    %mul3A_0 = arith.muli %arg1, %mul3A : i32
    %add3A = arith.addi %mul3A_0, %arg0 : i32
    "tpu.region"() ({
      %run_scoped3A = tpu.sem_alloc : memref<!tpu.dma_semaphore, #tpu.memory_space<semaphore_mem>>
      %dma_start3A_92 = arith.constant 0 : i32
      %dma_start3A_93 = arith.constant 0 : i32
      %dma_start3A_94 = tpu.memref_slice %arg3[%add3A, %dma_start3A_92, %dma_start3A_93] : memref<32x20x128xi32, #tpu.memory_space<hbm>> -> memref<1x20x128xi32, #tpu.memory_space<hbm>>
      %dma_start3A_95 = tpu.memref_squeeze %dma_start3A_94 : memref<1x20x128xi32, #tpu.memory_space<hbm>> -> memref<20x128xi32, #tpu.memory_space<hbm>>
      %dma_start3A_96 = arith.constant 0 : i32
      %dma_start3A_97 = arith.constant 0 : i32
      %dma_start3A_98 = tpu.memref_slice %arg3[%add3A, %dma_start3A_96, %dma_start3A_97] : memref<32x20x128xi32, #tpu.memory_space<hbm>> -> memref<1x20x128xi32, #tpu.memory_space<hbm>>
      %dma_start3A_99 = tpu.memref_squeeze %dma_start3A_98 : memref<1x20x128xi32, #tpu.memory_space<hbm>> -> memref<20x128xi32, #tpu.memory_space<hbm>>
      tpu.enqueue_dma source(%dma_start3A_99 : memref<20x128xi32, #tpu.memory_space<hbm>>) target(%arg5 : memref<20x128xi32, #tpu.memory_space<vmem>>) target_semaphore(%run_scoped3A : memref<!tpu.dma_semaphore, #tpu.memory_space<semaphore_mem>>)
      %dma_wait3A_100 = arith.constant 0 : i32
      %dma_wait3A_101 = arith.constant 0 : i32
      %dma_wait3A_102 = tpu.memref_slice %arg3[%add3A, %dma_wait3A_100, %dma_wait3A_101] : memref<32x20x128xi32, #tpu.memory_space<hbm>> -> memref<1x20x128xi32, #tpu.memory_space<hbm>>
      %dma_wait3A_103 = tpu.memref_squeeze %dma_wait3A_102 : memref<1x20x128xi32, #tpu.memory_space<hbm>> -> memref<20x128xi32, #tpu.memory_space<hbm>>
      %dma_wait3A_104 = arith.constant 0 : i32
      %dma_wait3A_105 = arith.constant 0 : i32
      %dma_wait3A_106 = tpu.memref_slice %arg3[%add3A, %dma_wait3A_104, %dma_wait3A_105] : memref<32x20x128xi32, #tpu.memory_space<hbm>> -> memref<1x20x128xi32, #tpu.memory_space<hbm>>
      %dma_wait3A_107 = tpu.memref_squeeze %dma_wait3A_106 : memref<1x20x128xi32, #tpu.memory_space<hbm>> -> memref<20x128xi32, #tpu.memory_space<hbm>>
      tpu.wait_dma2 semaphore(%run_scoped3A : memref<!tpu.dma_semaphore, #tpu.memory_space<semaphore_mem>>) src(%dma_wait3A_107 : memref<20x128xi32, #tpu.memory_space<hbm>>) dst(%arg5 : memref<20x128xi32, #tpu.memory_space<vmem>>)
      tpu.yield
    }) : () -> ()
    %dma_start3A = arith.constant 0 : i32
    %dma_start3A_1 = arith.constant 0 : i32
    %dma_start3A_2 = arith.constant 0 : i32
    %dma_start3A_3 = arith.constant 0 : i32
    %dma_start3A_4 = tpu.memref_slice %arg6[%dma_start3A_1, %dma_start3A_2, %dma_start3A_3] : memref<6x128x128xf32, #tpu.memory_space<vmem>> -> memref<1x128x128xf32, #tpu.memory_space<vmem>>
    %dma_start3A_5 = tpu.memref_squeeze %dma_start3A_4 : memref<1x128x128xf32, #tpu.memory_space<vmem>> -> memref<128x128xf32, #tpu.memory_space<vmem>>
    %dma_start3A_6 = arith.constant 0 : i32
    %dma_start3A_7 = tpu.memref_slice %arg5[%dma_start3A, %dma_start3A_6] : memref<20x128xi32, #tpu.memory_space<vmem>> -> memref<1x128xi32, #tpu.memory_space<vmem>>
    %dma_start3A_8 = tpu.memref_squeeze %dma_start3A_7 : memref<1x128xi32, #tpu.memory_space<vmem>> -> memref<128xi32, #tpu.memory_space<vmem>>
    %dma_start3A_9 = arith.constant 0 : i32
    %dma_start3A_10 = arith.constant 0 : i32
    %dma_start3A_11 = tpu.memref_slice %arg2[%dma_start3A_9, %dma_start3A_10] : memref<10240x128xf32, #tpu.memory_space<hbm>> -> memref<10240x128xf32, #tpu.memory_space<hbm>>
    tpu.enqueue_indirect_dma source(%dma_start3A_11 : memref<10240x128xf32, #tpu.memory_space<hbm>>) target(%dma_start3A_5 : memref<128x128xf32, #tpu.memory_space<vmem>>) offsets(%dma_start3A_8 : memref<128xi32, #tpu.memory_space<vmem>>) semaphore(%arg7 : memref<!tpu.dma_semaphore, #tpu.memory_space<semaphore_mem>>)
    %dma_start3A_12 = arith.constant 1 : i32
    %dma_start3A_13 = arith.constant 1 : i32
    %dma_start3A_14 = arith.constant 0 : i32
    %dma_start3A_15 = arith.constant 0 : i32
    %dma_start3A_16 = tpu.memref_slice %arg6[%dma_start3A_13, %dma_start3A_14, %dma_start3A_15] : memref<6x128x128xf32, #tpu.memory_space<vmem>> -> memref<1x128x128xf32, #tpu.memory_space<vmem>>
    %dma_start3A_17 = tpu.memref_squeeze %dma_start3A_16 : memref<1x128x128xf32, #tpu.memory_space<vmem>> -> memref<128x128xf32, #tpu.memory_space<vmem>>
    %dma_start3A_18 = arith.constant 0 : i32
    %dma_start3A_19 = tpu.memref_slice %arg5[%dma_start3A_12, %dma_start3A_18] : memref<20x128xi32, #tpu.memory_space<vmem>> -> memref<1x128xi32, #tpu.memory_space<vmem>>
    %dma_start3A_20 = tpu.memref_squeeze %dma_start3A_19 : memref<1x128xi32, #tpu.memory_space<vmem>> -> memref<128xi32, #tpu.memory_space<vmem>>
    %dma_start3A_21 = arith.constant 0 : i32
    %dma_start3A_22 = arith.constant 0 : i32
    %dma_start3A_23 = tpu.memref_slice %arg2[%dma_start3A_21, %dma_start3A_22] : memref<10240x128xf32, #tpu.memory_space<hbm>> -> memref<10240x128xf32, #tpu.memory_space<hbm>>
    tpu.enqueue_indirect_dma source(%dma_start3A_23 : memref<10240x128xf32, #tpu.memory_space<hbm>>) target(%dma_start3A_17 : memref<128x128xf32, #tpu.memory_space<vmem>>) offsets(%dma_start3A_20 : memref<128xi32, #tpu.memory_space<vmem>>) semaphore(%arg7 : memref<!tpu.dma_semaphore, #tpu.memory_space<semaphore_mem>>)
    %dma_start3A_24 = arith.constant 2 : i32
    %dma_start3A_25 = arith.constant 2 : i32
    %dma_start3A_26 = arith.constant 0 : i32
    %dma_start3A_27 = arith.constant 0 : i32
    %dma_start3A_28 = tpu.memref_slice %arg6[%dma_start3A_25, %dma_start3A_26, %dma_start3A_27] : memref<6x128x128xf32, #tpu.memory_space<vmem>> -> memref<1x128x128xf32, #tpu.memory_space<vmem>>
    %dma_start3A_29 = tpu.memref_squeeze %dma_start3A_28 : memref<1x128x128xf32, #tpu.memory_space<vmem>> -> memref<128x128xf32, #tpu.memory_space<vmem>>
    %dma_start3A_30 = arith.constant 0 : i32
    %dma_start3A_31 = tpu.memref_slice %arg5[%dma_start3A_24, %dma_start3A_30] : memref<20x128xi32, #tpu.memory_space<vmem>> -> memref<1x128xi32, #tpu.memory_space<vmem>>
    %dma_start3A_32 = tpu.memref_squeeze %dma_start3A_31 : memref<1x128xi32, #tpu.memory_space<vmem>> -> memref<128xi32, #tpu.memory_space<vmem>>
    %dma_start3A_33 = arith.constant 0 : i32
    %dma_start3A_34 = arith.constant 0 : i32
    %dma_start3A_35 = tpu.memref_slice %arg2[%dma_start3A_33, %dma_start3A_34] : memref<10240x128xf32, #tpu.memory_space<hbm>> -> memref<10240x128xf32, #tpu.memory_space<hbm>>
    tpu.enqueue_indirect_dma source(%dma_start3A_35 : memref<10240x128xf32, #tpu.memory_space<hbm>>) target(%dma_start3A_29 : memref<128x128xf32, #tpu.memory_space<vmem>>) offsets(%dma_start3A_32 : memref<128xi32, #tpu.memory_space<vmem>>) semaphore(%arg7 : memref<!tpu.dma_semaphore, #tpu.memory_space<semaphore_mem>>)
    %dma_start3A_36 = arith.constant 3 : i32
    %dma_start3A_37 = arith.constant 3 : i32
    %dma_start3A_38 = arith.constant 0 : i32
    %dma_start3A_39 = arith.constant 0 : i32
    %dma_start3A_40 = tpu.memref_slice %arg6[%dma_start3A_37, %dma_start3A_38, %dma_start3A_39] : memref<6x128x128xf32, #tpu.memory_space<vmem>> -> memref<1x128x128xf32, #tpu.memory_space<vmem>>
    %dma_start3A_41 = tpu.memref_squeeze %dma_start3A_40 : memref<1x128x128xf32, #tpu.memory_space<vmem>> -> memref<128x128xf32, #tpu.memory_space<vmem>>
    %dma_start3A_42 = arith.constant 0 : i32
    %dma_start3A_43 = tpu.memref_slice %arg5[%dma_start3A_36, %dma_start3A_42] : memref<20x128xi32, #tpu.memory_space<vmem>> -> memref<1x128xi32, #tpu.memory_space<vmem>>
    %dma_start3A_44 = tpu.memref_squeeze %dma_start3A_43 : memref<1x128xi32, #tpu.memory_space<vmem>> -> memref<128xi32, #tpu.memory_space<vmem>>
    %dma_start3A_45 = arith.constant 0 : i32
    %dma_start3A_46 = arith.constant 0 : i32
    %dma_start3A_47 = tpu.memref_slice %arg2[%dma_start3A_45, %dma_start3A_46] : memref<10240x128xf32, #tpu.memory_space<hbm>> -> memref<10240x128xf32, #tpu.memory_space<hbm>>
    tpu.enqueue_indirect_dma source(%dma_start3A_47 : memref<10240x128xf32, #tpu.memory_space<hbm>>) target(%dma_start3A_41 : memref<128x128xf32, #tpu.memory_space<vmem>>) offsets(%dma_start3A_44 : memref<128xi32, #tpu.memory_space<vmem>>) semaphore(%arg7 : memref<!tpu.dma_semaphore, #tpu.memory_space<semaphore_mem>>)
    %dma_start3A_48 = arith.constant 4 : i32
    %dma_start3A_49 = arith.constant 4 : i32
    %dma_start3A_50 = arith.constant 0 : i32
    %dma_start3A_51 = arith.constant 0 : i32
    %dma_start3A_52 = tpu.memref_slice %arg6[%dma_start3A_49, %dma_start3A_50, %dma_start3A_51] : memref<6x128x128xf32, #tpu.memory_space<vmem>> -> memref<1x128x128xf32, #tpu.memory_space<vmem>>
    %dma_start3A_53 = tpu.memref_squeeze %dma_start3A_52 : memref<1x128x128xf32, #tpu.memory_space<vmem>> -> memref<128x128xf32, #tpu.memory_space<vmem>>
    %dma_start3A_54 = arith.constant 0 : i32
    %dma_start3A_55 = tpu.memref_slice %arg5[%dma_start3A_48, %dma_start3A_54] : memref<20x128xi32, #tpu.memory_space<vmem>> -> memref<1x128xi32, #tpu.memory_space<vmem>>
    %dma_start3A_56 = tpu.memref_squeeze %dma_start3A_55 : memref<1x128xi32, #tpu.memory_space<vmem>> -> memref<128xi32, #tpu.memory_space<vmem>>
    %dma_start3A_57 = arith.constant 0 : i32
    %dma_start3A_58 = arith.constant 0 : i32
    %dma_start3A_59 = tpu.memref_slice %arg2[%dma_start3A_57, %dma_start3A_58] : memref<10240x128xf32, #tpu.memory_space<hbm>> -> memref<10240x128xf32, #tpu.memory_space<hbm>>
    tpu.enqueue_indirect_dma source(%dma_start3A_59 : memref<10240x128xf32, #tpu.memory_space<hbm>>) target(%dma_start3A_53 : memref<128x128xf32, #tpu.memory_space<vmem>>) offsets(%dma_start3A_56 : memref<128xi32, #tpu.memory_space<vmem>>) semaphore(%arg7 : memref<!tpu.dma_semaphore, #tpu.memory_space<semaphore_mem>>)
    %dma_start3A_60 = arith.constant 5 : i32
    %dma_start3A_61 = arith.constant 5 : i32
    %dma_start3A_62 = arith.constant 0 : i32
    %dma_start3A_63 = arith.constant 0 : i32
    %dma_start3A_64 = tpu.memref_slice %arg6[%dma_start3A_61, %dma_start3A_62, %dma_start3A_63] : memref<6x128x128xf32, #tpu.memory_space<vmem>> -> memref<1x128x128xf32, #tpu.memory_space<vmem>>
    %dma_start3A_65 = tpu.memref_squeeze %dma_start3A_64 : memref<1x128x128xf32, #tpu.memory_space<vmem>> -> memref<128x128xf32, #tpu.memory_space<vmem>>
    %dma_start3A_66 = arith.constant 0 : i32
    %dma_start3A_67 = tpu.memref_slice %arg5[%dma_start3A_60, %dma_start3A_66] : memref<20x128xi32, #tpu.memory_space<vmem>> -> memref<1x128xi32, #tpu.memory_space<vmem>>
    %dma_start3A_68 = tpu.memref_squeeze %dma_start3A_67 : memref<1x128xi32, #tpu.memory_space<vmem>> -> memref<128xi32, #tpu.memory_space<vmem>>
    %dma_start3A_69 = arith.constant 0 : i32
    %dma_start3A_70 = arith.constant 0 : i32
    %dma_start3A_71 = tpu.memref_slice %arg2[%dma_start3A_69, %dma_start3A_70] : memref<10240x128xf32, #tpu.memory_space<hbm>> -> memref<10240x128xf32, #tpu.memory_space<hbm>>
    tpu.enqueue_indirect_dma source(%dma_start3A_71 : memref<10240x128xf32, #tpu.memory_space<hbm>>) target(%dma_start3A_65 : memref<128x128xf32, #tpu.memory_space<vmem>>) offsets(%dma_start3A_68 : memref<128xi32, #tpu.memory_space<vmem>>) semaphore(%arg7 : memref<!tpu.dma_semaphore, #tpu.memory_space<semaphore_mem>>)
    %scan3A = arith.constant 0 : i32
    %scan3A_72 = arith.constant 0 : i32
    %scan3A_73 = arith.constant 20 : i32
    %scan3A_74 = arith.addi %scan3A_72, %scan3A_73 : i32
    %scan3A_75 = arith.constant 1 : i32
    scf.for %scan3A_92 = %scan3A_72 to %scan3A_74 step %scan3A_75  : i32 {
      %rem3A_93 = arith.constant 6 : i32
      %rem3A_94 = arith.remsi %scan3A_92, %rem3A_93 : i32
      %dma_wait3A_95 = arith.constant 0 : i32
      %dma_wait3A_96 = arith.constant 0 : i32
      %dma_wait3A_97 = arith.constant 0 : i32
      %dma_wait3A_98 = tpu.memref_slice %arg6[%rem3A_94, %dma_wait3A_96, %dma_wait3A_97] : memref<6x128x128xf32, #tpu.memory_space<vmem>> -> memref<1x128x128xf32, #tpu.memory_space<vmem>>
      %dma_wait3A_99 = tpu.memref_squeeze %dma_wait3A_98 : memref<1x128x128xf32, #tpu.memory_space<vmem>> -> memref<128x128xf32, #tpu.memory_space<vmem>>
      %dma_wait3A_100 = arith.constant 0 : i32
      %dma_wait3A_101 = tpu.memref_slice %arg5[%dma_wait3A_95, %dma_wait3A_100] : memref<20x128xi32, #tpu.memory_space<vmem>> -> memref<1x128xi32, #tpu.memory_space<vmem>>
      %dma_wait3A_102 = tpu.memref_squeeze %dma_wait3A_101 : memref<1x128xi32, #tpu.memory_space<vmem>> -> memref<128xi32, #tpu.memory_space<vmem>>
      %dma_wait3A_103 = arith.constant 0 : i32
      %dma_wait3A_104 = arith.constant 0 : i32
      %dma_wait3A_105 = tpu.memref_slice %arg2[%dma_wait3A_103, %dma_wait3A_104] : memref<10240x128xf32, #tpu.memory_space<hbm>> -> memref<10240x128xf32, #tpu.memory_space<hbm>>
      tpu.wait_indirect_dma semaphore(%arg7 : memref<!tpu.dma_semaphore, #tpu.memory_space<semaphore_mem>>) src(%dma_wait3A_105 : memref<10240x128xf32, #tpu.memory_space<hbm>>) dst(%dma_wait3A_99 : memref<128x128xf32, #tpu.memory_space<vmem>>)
      %mul3A_106 = arith.constant 20 : i32
      %mul3A_107 = arith.muli %add3A, %mul3A_106 : i32
      %add3A_108 = arith.addi %mul3A_107, %scan3A_92 : i32
      %mul3A_109 = arith.constant 128 : i32
      %mul3A_110 = arith.muli %add3A_108, %mul3A_109 : i32
      %dma_start3A_111 = arith.constant 0 : i32
      %dma_start3A_112 = arith.constant 0 : i32
      %dma_start3A_113 = tpu.memref_slice %arg6[%rem3A_94, %dma_start3A_111, %dma_start3A_112] : memref<6x128x128xf32, #tpu.memory_space<vmem>> -> memref<1x128x128xf32, #tpu.memory_space<vmem>>
      %dma_start3A_114 = tpu.memref_squeeze %dma_start3A_113 : memref<1x128x128xf32, #tpu.memory_space<vmem>> -> memref<128x128xf32, #tpu.memory_space<vmem>>
      %dma_start3A_115 = arith.constant 0 : i32
      %dma_start3A_116 = tpu.memref_slice %arg4[%mul3A_110, %dma_start3A_115] : memref<81920x128xf32, #tpu.memory_space<hbm>> -> memref<128x128xf32, #tpu.memory_space<hbm>>
      %dma_start3A_117 = arith.constant 0 : i32
      %dma_start3A_118 = tpu.memref_slice %arg4[%mul3A_110, %dma_start3A_117] : memref<81920x128xf32, #tpu.memory_space<hbm>> -> memref<128x128xf32, #tpu.memory_space<hbm>>
      %dma_start3A_119 = arith.constant 0 : i32
      %dma_start3A_120 = arith.constant 0 : i32
      %dma_start3A_121 = tpu.memref_slice %arg6[%rem3A_94, %dma_start3A_119, %dma_start3A_120] : memref<6x128x128xf32, #tpu.memory_space<vmem>> -> memref<1x128x128xf32, #tpu.memory_space<vmem>>
      %dma_start3A_122 = tpu.memref_squeeze %dma_start3A_121 : memref<1x128x128xf32, #tpu.memory_space<vmem>> -> memref<128x128xf32, #tpu.memory_space<vmem>>
      tpu.enqueue_dma source(%dma_start3A_122 : memref<128x128xf32, #tpu.memory_space<vmem>>) target(%dma_start3A_118 : memref<128x128xf32, #tpu.memory_space<hbm>>) target_semaphore(%arg8 : memref<!tpu.dma_semaphore, #tpu.memory_space<semaphore_mem>>)
      %add3A_123 = arith.constant 6 : i32
      %add3A_124 = arith.addi %scan3A_92, %add3A_123 : i32
      %sub3A = arith.constant 1 : i32
      %sub3A_125 = arith.subi %add3A_124, %sub3A : i32
      %rem3A_126 = arith.constant 6 : i32
      %rem3A_127 = arith.remsi %sub3A_125, %rem3A_126 : i32
      %gt3A = arith.constant 0 : i32
      %gt3A_128 = arith.cmpi sgt, %scan3A_92, %gt3A : i32
      %convert_element_type3A = arith.extui %gt3A_128 : i1 to i32
      %cond3A = arith.constant 0 : i32
      %cond3A_129 = arith.cmpi ne, %convert_element_type3A, %cond3A : i32
      scf.if %cond3A_129 {
        %dma_wait3A_140 = arith.constant 0 : i32
        %dma_wait3A_141 = arith.constant 0 : i32
        %dma_wait3A_142 = tpu.memref_slice %arg6[%rem3A_127, %dma_wait3A_140, %dma_wait3A_141] : memref<6x128x128xf32, #tpu.memory_space<vmem>> -> memref<1x128x128xf32, #tpu.memory_space<vmem>>
        %dma_wait3A_143 = tpu.memref_squeeze %dma_wait3A_142 : memref<1x128x128xf32, #tpu.memory_space<vmem>> -> memref<128x128xf32, #tpu.memory_space<vmem>>
        %dma_wait3A_144 = arith.constant 0 : i32
        %dma_wait3A_145 = arith.constant 0 : i32
        %dma_wait3A_146 = tpu.memref_slice %arg4[%dma_wait3A_144, %dma_wait3A_145] : memref<81920x128xf32, #tpu.memory_space<hbm>> -> memref<128x128xf32, #tpu.memory_space<hbm>>
        %dma_wait3A_147 = arith.constant 0 : i32
        %dma_wait3A_148 = arith.constant 0 : i32
        %dma_wait3A_149 = tpu.memref_slice %arg4[%dma_wait3A_147, %dma_wait3A_148] : memref<81920x128xf32, #tpu.memory_space<hbm>> -> memref<128x128xf32, #tpu.memory_space<hbm>>
        %dma_wait3A_150 = arith.constant 0 : i32
        %dma_wait3A_151 = arith.constant 0 : i32
        %dma_wait3A_152 = tpu.memref_slice %arg6[%rem3A_127, %dma_wait3A_150, %dma_wait3A_151] : memref<6x128x128xf32, #tpu.memory_space<vmem>> -> memref<1x128x128xf32, #tpu.memory_space<vmem>>
        %dma_wait3A_153 = tpu.memref_squeeze %dma_wait3A_152 : memref<1x128x128xf32, #tpu.memory_space<vmem>> -> memref<128x128xf32, #tpu.memory_space<vmem>>
        tpu.wait_dma2 semaphore(%arg8 : memref<!tpu.dma_semaphore, #tpu.memory_space<semaphore_mem>>) src(%dma_wait3A_153 : memref<128x128xf32, #tpu.memory_space<vmem>>) dst(%dma_wait3A_149 : memref<128x128xf32, #tpu.memory_space<hbm>>)
      } else {
      }
      %gt3A_130 = arith.constant 0 : i32
      %gt3A_131 = arith.cmpi sgt, %scan3A_92, %gt3A_130 : i32
      %add3A_132 = arith.constant 6 : i32
      %add3A_133 = arith.addi %scan3A_92, %add3A_132 : i32
      %sub3A_134 = arith.constant 1 : i32
      %sub3A_135 = arith.subi %add3A_133, %sub3A_134 : i32
      %lt3A = arith.constant 20 : i32
      %lt3A_136 = arith.cmpi slt, %sub3A_135, %lt3A : i32
      %and3A = arith.andi %gt3A_131, %lt3A_136 : i1
      %convert_element_type3A_137 = arith.extui %and3A : i1 to i32
      %cond3A_138 = arith.constant 0 : i32
      %cond3A_139 = arith.cmpi ne, %convert_element_type3A_137, %cond3A_138 : i32
      scf.if %cond3A_139 {
        %add3A_140 = arith.constant 6 : i32
        %add3A_141 = arith.addi %scan3A_92, %add3A_140 : i32
        %sub3A_142 = arith.constant 1 : i32
        %sub3A_143 = arith.subi %add3A_141, %sub3A_142 : i32
        %dma_start3A_144 = arith.constant 0 : i32
        %dma_start3A_145 = arith.constant 0 : i32
        %dma_start3A_146 = tpu.memref_slice %arg6[%rem3A_127, %dma_start3A_144, %dma_start3A_145] : memref<6x128x128xf32, #tpu.memory_space<vmem>> -> memref<1x128x128xf32, #tpu.memory_space<vmem>>
        %dma_start3A_147 = tpu.memref_squeeze %dma_start3A_146 : memref<1x128x128xf32, #tpu.memory_space<vmem>> -> memref<128x128xf32, #tpu.memory_space<vmem>>
        %dma_start3A_148 = arith.constant 0 : i32
        %dma_start3A_149 = tpu.memref_slice %arg5[%sub3A_143, %dma_start3A_148] : memref<20x128xi32, #tpu.memory_space<vmem>> -> memref<1x128xi32, #tpu.memory_space<vmem>>
        %dma_start3A_150 = tpu.memref_squeeze %dma_start3A_149 : memref<1x128xi32, #tpu.memory_space<vmem>> -> memref<128xi32, #tpu.memory_space<vmem>>
        %dma_start3A_151 = arith.constant 0 : i32
        %dma_start3A_152 = arith.constant 0 : i32
        %dma_start3A_153 = tpu.memref_slice %arg2[%dma_start3A_151, %dma_start3A_152] : memref<10240x128xf32, #tpu.memory_space<hbm>> -> memref<10240x128xf32, #tpu.memory_space<hbm>>
        tpu.enqueue_indirect_dma source(%dma_start3A_153 : memref<10240x128xf32, #tpu.memory_space<hbm>>) target(%dma_start3A_147 : memref<128x128xf32, #tpu.memory_space<vmem>>) offsets(%dma_start3A_150 : memref<128xi32, #tpu.memory_space<vmem>>) semaphore(%arg7 : memref<!tpu.dma_semaphore, #tpu.memory_space<semaphore_mem>>)
      } else {
      }
    }
    %scan3A_76 = arith.constant 20 : i32
    %rem3A = arith.constant 19 : i32
    %rem3A_77 = arith.constant 6 : i32
    %rem3A_78 = arith.remsi %rem3A, %rem3A_77 : i32
    %dma_wait3A = arith.constant 0 : i32
    %dma_wait3A_79 = arith.constant 0 : i32
    %dma_wait3A_80 = tpu.memref_slice %arg6[%rem3A_78, %dma_wait3A, %dma_wait3A_79] : memref<6x128x128xf32, #tpu.memory_space<vmem>> -> memref<1x128x128xf32, #tpu.memory_space<vmem>>
    %dma_wait3A_81 = tpu.memref_squeeze %dma_wait3A_80 : memref<1x128x128xf32, #tpu.memory_space<vmem>> -> memref<128x128xf32, #tpu.memory_space<vmem>>
    %dma_wait3A_82 = arith.constant 0 : i32
    %dma_wait3A_83 = arith.constant 0 : i32
    %dma_wait3A_84 = tpu.memref_slice %arg4[%dma_wait3A_82, %dma_wait3A_83] : memref<81920x128xf32, #tpu.memory_space<hbm>> -> memref<128x128xf32, #tpu.memory_space<hbm>>
    %dma_wait3A_85 = arith.constant 0 : i32
    %dma_wait3A_86 = arith.constant 0 : i32
    %dma_wait3A_87 = tpu.memref_slice %arg4[%dma_wait3A_85, %dma_wait3A_86] : memref<81920x128xf32, #tpu.memory_space<hbm>> -> memref<128x128xf32, #tpu.memory_space<hbm>>
    %dma_wait3A_88 = arith.constant 0 : i32
    %dma_wait3A_89 = arith.constant 0 : i32
    %dma_wait3A_90 = tpu.memref_slice %arg6[%rem3A_78, %dma_wait3A_88, %dma_wait3A_89] : memref<6x128x128xf32, #tpu.memory_space<vmem>> -> memref<1x128x128xf32, #tpu.memory_space<vmem>>
    %dma_wait3A_91 = tpu.memref_squeeze %dma_wait3A_90 : memref<1x128x128xf32, #tpu.memory_space<vmem>> -> memref<128x128xf32, #tpu.memory_space<vmem>>
    tpu.wait_dma2 semaphore(%arg8 : memref<!tpu.dma_semaphore, #tpu.memory_space<semaphore_mem>>) src(%dma_wait3A_91 : memref<128x128xf32, #tpu.memory_space<vmem>>) dst(%dma_wait3A_87 : memref<128x128xf32, #tpu.memory_space<hbm>>)
    return
  }
}

module attributes {stable_mosaic.version = 14 : i64} {
  func.func @_prep_body(%arg0: memref<10240x128xf32, #tpu.memory_space<vmem>>, %arg1: memref<10240x32xi32, #tpu.memory_space<vmem>>, %arg2: memref<10240x128xf32, #tpu.memory_space<vmem>>, %arg3: memref<10240x32xi32, #tpu.memory_space<vmem>>) attributes {dimension_semantics = [], scalar_prefetch = 0 : i64, scratch_operands = 0 : i64, tpu.core_type = #tpu.core_type<tc>} {
    %get3A = arith.constant 0 : index
    %get3A_0 = arith.constant 0 : index
    %get3A_1 = vector.load %arg0[%get3A, %get3A_0] : memref<10240x128xf32, #tpu.memory_space<vmem>>, vector<10240x128xf32>
    %mul3A = arith.mulf %get3A_1, %get3A_1 : vector<10240x128xf32>
    %reduce_sum3A = arith.constant dense<0.000000e+00> : vector<10240xf32>
    %reduce_sum3A_2 = vector.multi_reduction <add>, %mul3A, %reduce_sum3A [1] : vector<10240x128xf32> to vector<10240xf32>
    %broadcast_in_dim3A = vector.shape_cast %reduce_sum3A_2 : vector<10240xf32> to vector<10240x1xf32>
    %sqrt3A = math.sqrt %broadcast_in_dim3A : vector<10240x1xf32>
    %max3A = arith.constant 9.99999996E-13 : f32
    %max3A_3 = vector.broadcast %max3A : f32 to vector<10240x1xf32>
    %max3A_4 = arith.maximumf %sqrt3A, %max3A_3 : vector<10240x1xf32>
    %div3A = vector.broadcast %max3A_4 : vector<10240x1xf32> to vector<10240x128xf32>
    %div3A_5 = arith.divf %get3A_1, %div3A : vector<10240x128xf32>
    %swap3A = arith.constant 0 : index
    %swap3A_6 = arith.constant 0 : index
    %swap3A_7 = vector.load %arg2[%swap3A, %swap3A_6] : memref<10240x128xf32, #tpu.memory_space<vmem>>, vector<10240x128xf32>
    tpu.vector_store %arg2[%swap3A, %swap3A_6], %div3A_5 {strides = array<i32>} : memref<10240x128xf32, #tpu.memory_space<vmem>>, vector<10240x128xf32>,
    %get3A_8 = arith.constant 0 : index
    %get3A_9 = arith.constant 0 : index
    %get3A_10 = vector.load %arg1[%get3A_8, %get3A_9] : memref<10240x32xi32, #tpu.memory_space<vmem>>, vector<10240x32xi32>
    %sub3A = arith.constant 1 : i32
    %sub3A_11 = vector.broadcast %sub3A : i32 to vector<10240x32xi32>
    %sub3A_12 = arith.subi %get3A_10, %sub3A_11 : vector<10240x32xi32>
    %swap3A_13 = arith.constant 0 : index
    %swap3A_14 = arith.constant 0 : index
    %swap3A_15 = vector.load %arg3[%swap3A_13, %swap3A_14] : memref<10240x32xi32, #tpu.memory_space<vmem>>, vector<10240x32xi32>
    tpu.vector_store %arg3[%swap3A_13, %swap3A_14], %sub3A_12 {strides = array<i32>} : memref<10240x32xi32, #tpu.memory_space<vmem>>, vector<10240x32xi32>,
    return
  }
}

module attributes {stable_mosaic.version = 14 : i64} {
  func.func @_route_body(%arg0: i32, %arg1: memref<256x32x128xf32, #tpu.memory_space<vmem>>, %arg2: memref<256x128xf32, #tpu.memory_space<vmem>>, %arg3: memref<256x128xf32, #tpu.memory_space<vmem>>) attributes {dimension_semantics = [#tpu.dimension_semantics<arbitrary>], iteration_bounds = array<i64: 10>, scalar_prefetch = 0 : i64, scratch_operands = 0 : i64, tpu.core_type = #tpu.core_type<tc>, window_params = [{transform_indices = @transform_0, window_bounds = array<i64: 256, 32, 128>}, {transform_indices = @transform_1, window_bounds = array<i64: 256, 128>}, {transform_indices = @transform_2, window_bounds = array<i64: 256, 128>}]} {
    %get3A = arith.constant 0 : index
    %get3A_0 = arith.constant 0 : index
    %get3A_1 = arith.constant 0 : index
    %get3A_2 = vector.load %arg1[%get3A, %get3A_0, %get3A_1] : memref<256x32x128xf32, #tpu.memory_space<vmem>>, vector<256x32x128xf32>
    %get3A_3 = arith.constant 0 : index
    %get3A_4 = arith.constant 0 : index
    %get3A_5 = vector.load %arg2[%get3A_3, %get3A_4] : memref<256x128xf32, #tpu.memory_space<vmem>>, vector<256x128xf32>
    %reduce_sum3A = arith.constant dense<0.000000e+00> : vector<256x128xf32>
    %reduce_sum3A_6 = vector.multi_reduction <add>, %get3A_2, %reduce_sum3A [1] : vector<256x32x128xf32> to vector<256x128xf32>
    %div3A = arith.constant 3.200000e+01 : f32
    %div3A_7 = vector.broadcast %div3A : f32 to vector<256x128xf32>
    %div3A_8 = arith.divf %reduce_sum3A_6, %div3A_7 : vector<256x128xf32>
    %add3A = arith.addf %div3A_8, %get3A_5 : vector<256x128xf32>
    %mul3A = arith.mulf %add3A, %add3A : vector<256x128xf32>
    %reduce_sum3A_9 = arith.constant dense<0.000000e+00> : vector<256xf32>
    %reduce_sum3A_10 = vector.multi_reduction <add>, %mul3A, %reduce_sum3A_9 [1] : vector<256x128xf32> to vector<256xf32>
    %broadcast_in_dim3A = vector.shape_cast %reduce_sum3A_10 : vector<256xf32> to vector<256x1xf32>
    %add3A_11 = arith.constant 1.000000e+00 : f32
    %add3A_12 = vector.broadcast %add3A_11 : f32 to vector<256x1xf32>
    %add3A_13 = arith.addf %broadcast_in_dim3A, %add3A_12 : vector<256x1xf32>
    %div3A_14 = arith.divf %broadcast_in_dim3A, %add3A_13 : vector<256x1xf32>
    %mul3A_15 = vector.broadcast %div3A_14 : vector<256x1xf32> to vector<256x128xf32>
    %mul3A_16 = arith.mulf %mul3A_15, %add3A : vector<256x128xf32>
    %sqrt3A = math.sqrt %broadcast_in_dim3A : vector<256x1xf32>
    %max3A = arith.constant 9.99999996E-13 : f32
    %max3A_17 = vector.broadcast %max3A : f32 to vector<256x1xf32>
    %max3A_18 = arith.maximumf %sqrt3A, %max3A_17 : vector<256x1xf32>
    %div3A_19 = vector.broadcast %max3A_18 : vector<256x1xf32> to vector<256x128xf32>
    %div3A_20 = arith.divf %mul3A_16, %div3A_19 : vector<256x128xf32>
    %broadcast_in_dim3A_21 = vector.shape_cast %div3A_20 : vector<256x128xf32> to vector<256x1x128xf32>
    %mul3A_22 = vector.broadcast %broadcast_in_dim3A_21 : vector<256x1x128xf32> to vector<256x32x128xf32>
    %mul3A_23 = arith.mulf %get3A_2, %mul3A_22 : vector<256x32x128xf32>
    %reduce_sum3A_24 = arith.constant dense<0.000000e+00> : vector<256x32xf32>
    %reduce_sum3A_25 = vector.multi_reduction <add>, %mul3A_23, %reduce_sum3A_24 [2] : vector<256x32x128xf32> to vector<256x32xf32>
    %reduce_max3A = arith.constant dense<0xFF800000> : vector<256xf32>
    %reduce_max3A_26 = vector.multi_reduction <maximumf>, %reduce_sum3A_25, %reduce_max3A [1] : vector<256x32xf32> to vector<256xf32>
    %max3A_27 = arith.constant 0xFF800000 : f32
    %max3A_28 = vector.broadcast %max3A_27 : f32 to vector<256xf32>
    %max3A_29 = arith.maximumf %max3A_28, %reduce_max3A_26 : vector<256xf32>
    %broadcast_in_dim3A_30 = vector.shape_cast %max3A_29 : vector<256xf32> to vector<256x1xf32>
    %sub3A = vector.broadcast %broadcast_in_dim3A_30 : vector<256x1xf32> to vector<256x32xf32>
    %sub3A_31 = arith.subf %reduce_sum3A_25, %sub3A : vector<256x32xf32>
    %exp3A = math.exp %sub3A_31 : vector<256x32xf32>
    %reduce_sum3A_32 = arith.constant dense<0.000000e+00> : vector<256xf32>
    %reduce_sum3A_33 = vector.multi_reduction <add>, %exp3A, %reduce_sum3A_32 [1] : vector<256x32xf32> to vector<256xf32>
    %broadcast_in_dim3A_34 = vector.shape_cast %reduce_sum3A_33 : vector<256xf32> to vector<256x1xf32>
    %div3A_35 = vector.broadcast %broadcast_in_dim3A_34 : vector<256x1xf32> to vector<256x32xf32>
    %div3A_36 = arith.divf %exp3A, %div3A_35 : vector<256x32xf32>
    %broadcast_in_dim3A_37 = vector.shape_cast %div3A_36 : vector<256x32xf32> to vector<256x32x1xf32>
    %mul3A_38 = vector.broadcast %broadcast_in_dim3A_37 : vector<256x32x1xf32> to vector<256x32x128xf32>
    %mul3A_39 = arith.mulf %get3A_2, %mul3A_38 : vector<256x32x128xf32>
    %reduce_sum3A_40 = arith.constant dense<0.000000e+00> : vector<256x128xf32>
    %reduce_sum3A_41 = vector.multi_reduction <add>, %mul3A_39, %reduce_sum3A_40 [1] : vector<256x32x128xf32> to vector<256x128xf32>
    %add3A_42 = arith.addf %reduce_sum3A_41, %get3A_5 : vector<256x128xf32>
    %mul3A_43 = arith.mulf %add3A_42, %add3A_42 : vector<256x128xf32>
    %reduce_sum3A_44 = arith.constant dense<0.000000e+00> : vector<256xf32>
    %reduce_sum3A_45 = vector.multi_reduction <add>, %mul3A_43, %reduce_sum3A_44 [1] : vector<256x128xf32> to vector<256xf32>
    %broadcast_in_dim3A_46 = vector.shape_cast %reduce_sum3A_45 : vector<256xf32> to vector<256x1xf32>
    %add3A_47 = arith.constant 1.000000e+00 : f32
    %add3A_48 = vector.broadcast %add3A_47 : f32 to vector<256x1xf32>
    %add3A_49 = arith.addf %broadcast_in_dim3A_46, %add3A_48 : vector<256x1xf32>
    %div3A_50 = arith.divf %broadcast_in_dim3A_46, %add3A_49 : vector<256x1xf32>
    %mul3A_51 = vector.broadcast %div3A_50 : vector<256x1xf32> to vector<256x128xf32>
    %mul3A_52 = arith.mulf %mul3A_51, %add3A_42 : vector<256x128xf32>
    %sqrt3A_53 = math.sqrt %broadcast_in_dim3A_46 : vector<256x1xf32>
    %max3A_54 = arith.constant 9.99999996E-13 : f32
    %max3A_55 = vector.broadcast %max3A_54 : f32 to vector<256x1xf32>
    %max3A_56 = arith.maximumf %sqrt3A_53, %max3A_55 : vector<256x1xf32>
    %div3A_57 = vector.broadcast %max3A_56 : vector<256x1xf32> to vector<256x128xf32>
    %div3A_58 = arith.divf %mul3A_52, %div3A_57 : vector<256x128xf32>
    %broadcast_in_dim3A_59 = vector.shape_cast %div3A_58 : vector<256x128xf32> to vector<256x1x128xf32>
    %mul3A_60 = vector.broadcast %broadcast_in_dim3A_59 : vector<256x1x128xf32> to vector<256x32x128xf32>
    %mul3A_61 = arith.mulf %get3A_2, %mul3A_60 : vector<256x32x128xf32>
    %reduce_sum3A_62 = arith.constant dense<0.000000e+00> : vector<256x32xf32>
    %reduce_sum3A_63 = vector.multi_reduction <add>, %mul3A_61, %reduce_sum3A_62 [2] : vector<256x32x128xf32> to vector<256x32xf32>
    %reduce_max3A_64 = arith.constant dense<0xFF800000> : vector<256xf32>
    %reduce_max3A_65 = vector.multi_reduction <maximumf>, %reduce_sum3A_63, %reduce_max3A_64 [1] : vector<256x32xf32> to vector<256xf32>
    %max3A_66 = arith.constant 0xFF800000 : f32
    %max3A_67 = vector.broadcast %max3A_66 : f32 to vector<256xf32>
    %max3A_68 = arith.maximumf %max3A_67, %reduce_max3A_65 : vector<256xf32>
    %broadcast_in_dim3A_69 = vector.shape_cast %max3A_68 : vector<256xf32> to vector<256x1xf32>
    %sub3A_70 = vector.broadcast %broadcast_in_dim3A_69 : vector<256x1xf32> to vector<256x32xf32>
    %sub3A_71 = arith.subf %reduce_sum3A_63, %sub3A_70 : vector<256x32xf32>
    %exp3A_72 = math.exp %sub3A_71 : vector<256x32xf32>
    %reduce_sum3A_73 = arith.constant dense<0.000000e+00> : vector<256xf32>
    %reduce_sum3A_74 = vector.multi_reduction <add>, %exp3A_72, %reduce_sum3A_73 [1] : vector<256x32xf32> to vector<256xf32>
    %broadcast_in_dim3A_75 = vector.shape_cast %reduce_sum3A_74 : vector<256xf32> to vector<256x1xf32>
    %div3A_76 = vector.broadcast %broadcast_in_dim3A_75 : vector<256x1xf32> to vector<256x32xf32>
    %div3A_77 = arith.divf %exp3A_72, %div3A_76 : vector<256x32xf32>
    %broadcast_in_dim3A_78 = vector.shape_cast %div3A_77 : vector<256x32xf32> to vector<256x32x1xf32>
    %mul3A_79 = vector.broadcast %broadcast_in_dim3A_78 : vector<256x32x1xf32> to vector<256x32x128xf32>
    %mul3A_80 = arith.mulf %get3A_2, %mul3A_79 : vector<256x32x128xf32>
    %reduce_sum3A_81 = arith.constant dense<0.000000e+00> : vector<256x128xf32>
    %reduce_sum3A_82 = vector.multi_reduction <add>, %mul3A_80, %reduce_sum3A_81 [1] : vector<256x32x128xf32> to vector<256x128xf32>
    %add3A_83 = arith.addf %reduce_sum3A_82, %get3A_5 : vector<256x128xf32>
    %swap3A = arith.constant 0 : index
    %swap3A_84 = arith.constant 0 : index
    %swap3A_85 = vector.load %arg3[%swap3A, %swap3A_84] : memref<256x128xf32, #tpu.memory_space<vmem>>, vector<256x128xf32>
    tpu.vector_store %arg3[%swap3A, %swap3A_84], %add3A_83 {strides = array<i32>} : memref<256x128xf32, #tpu.memory_space<vmem>>, vector<256x128xf32>,
    return
  }
  func.func @transform_0(%arg0: i32) -> (i32, i32, i32) {
    %c0_i32 = arith.constant 0 : i32
    %c0_i32_0 = arith.constant 0 : i32
    %c0_i32_1 = arith.constant 0 : i32
    return %arg0, %c0_i32, %c0_i32_0 : i32, i32, i32
  }
  func.func @transform_1(%arg0: i32) -> (i32, i32) {
    %c0_i32 = arith.constant 0 : i32
    %c0_i32_0 = arith.constant 0 : i32
    return %arg0, %c0_i32 : i32, i32
  }
  func.func @transform_2(%arg0: i32) -> (i32, i32) {
    %c0_i32 = arith.constant 0 : i32
    %c0_i32_0 = arith.constant 0 : i32
    return %arg0, %c0_i32 : i32, i32
  }
}

</mosaic_0001>

<sc_bundles>
// kernel: kernel.11.cloned.1.call-start
scs
__scs_entry_jumppad:
0x0: {  	(pc) =	sbr.rel $0x88, $3  }
0x1: {  	(tag) =	ssettag $0x0;
	lr =	simm.s32 $0x1  }
0x2: {  	[smem:$0x3F9F] =	sst lr;
	_ =	strace $0xD0000000  }
0x3: {  	_ = 	snop  }
0x4: {  	_ = 	snop  }
0x5: {  	_ = 	snop  }
0x6: {  	_ = 	snop  }
0x7: {  	_ = 	snop  }
__scs_overlays_trampoline_lowered:
0x8: {  	[smem:$0x3FAE] =	sst s0  }
0x9: {  	[smem:$0x3FAF] =	sst s1  }
0xa: {  	[smem:$0x3FB0] =	sst s2  }
0xb: {  	[smem:$0x3FB1] =	sst s3  }
0xc: {  	[smem:$0x3FB2] =	sst s4  }
0xd: {  	[smem:$0x3FB3] =	sst s5  }
0xe: {  	[smem:$0x3FB4] =	sst s6  }
0xf: {  	[smem:$0x3FB5] =	sst s7  }
0x10: {  	[smem:$0x3FB6] =	sst s8  }
0x11: {  	[smem:$0x3FB7] =	sst s9;
	s0 =	simm.s32 @!p0 $0x0  }
0x12: {  	s1 =	sld [smem:$0x3F9D];
	s0 =	simm.s32 @p0 $0x1  }
0x13: {  	[smem:$0x3FB8] =	sst s0;
	s0 =	simm.s32 @!p1 $0x0  }
0x14: {  	s2 =	sld [smem:$0x3F9C];
	s0 =	simm.s32 @p1 $0x1  }
0x15: {  	[smem:$0x3FB9] =	sst s0;
	s0 =	simm.s32 @!p2 $0x0  }
0x16: {  	s3 =	sld [smem:$0x3FDB];
	s0 =	simm.s32 @p2 $0x1  }
0x17: {  	s4 =	simm.s32 $0x1BF5;
	[smem:$0x3FBB] =	sst s0  }
0x18: {  	s0 =	sld [smem:$0x3F9E];
	_ =	swait.ge [sflag:s4], $0x0  }
0x19: {  	s7 =	sld [smem:$0x3F9F]  }
0x1a: {  	s8 =	sadd.s32 $0xFFFFE003, lr  }
0x1b: {  	s9 =	sadd.s32 $0xFFFFFEF7, lr;
	s5 =	simm.s32 $0xFFFFFFFF;
	p2 =	slt.u32 s8, $0xFFFFF086  }
0x1c: {  	p1 =	slt.u32 s9, $0xF7A;
	s5 =	simm.s32 @!p2 $0x0  }
0x1d: {  	s5 =	simm.s32 @p1 $0x1;
	p0 =	seq.s32 s7, s2  }
0x1e: {  	s7 =	smul.u32 @!p0 $0xF7A, s2;
	p2 =	seq.s32 @!p0 s5, $0x0  }
0x1f: {  	s9 =	smul.u32 $0xF7A, s1;
	s8 =	simm.s32 @!p0 $0x1BF5;
	p2 =	por !p2, p0  }
0x20: {  	[sflag:s8] =	ssyncset.s32 @!p0 $0xFFFFF086;
	s6 =	sadd.s32 @!p0 s3, s7;
	s7 =	simm.s32 @!p0 $0x108  }
0x21: {  	s3 =	sadd.s32 s3, s9;
	s6 =	sadd.s32 @!p0 $0x88, s6;
	s7 =	simm.s32 @p2 $0x1082  }
0x22: {  	[simem:s7], [sflag:s8] =	dma.local @!p0 [hbm:s6], $0xF7A  }
0x23: {  	s9 =	sor.u32 $0xD0000000, s2;
	s6 =	simm.s32 $0x108;
	_ =	swait.ge @!p0 [sflag:s8], $0x0  }
0x24: {  	s3 =	sadd.s32 $0x88, s3;
	s6 =	simm.s32 @!p1 $0x1082;
	[sflag:s4] =	ssyncset.s32 $0xFFFFF086  }
0x25: {  	[simem:s6], [sflag:s4] =	dma.local [hbm:s3], $0xF7A  }
0x26: {  	[smem:$0x3F9F] =	sst s1;
	(tag) =	ssettag s2;
	_ =	strace s9  }
0x27: {  	s1 =	sld [smem:$0x3FAF]  }
0x28: {  	s2 =	sld [smem:$0x3FB0]  }
0x29: {  	s4 =	sld [smem:$0x3FB2]  }
0x2a: {  	p0 =	seq.s32 s5, $0x0;
	s5 =	sld [smem:$0x3FB3]  }
0x2b: {  	s6 =	sld [smem:$0x3FB4]  }
0x2c: {  	s7 =	sld [smem:$0x3FB5]  }
0x2d: {  	s3 =	simm.s32 $0x108;
	s8 =	sld [smem:$0x3FB6]  }
0x2e: {  	s3 =	simm.s32 @!p0 $0x1082;
	s9 =	sld [smem:$0x3FB7]  }
0x2f: {  	lr =	sadd.s32 s0, s3;
	s0 =	sld [smem:$0x3FAE]  }
0x30: {  	s3 =	sld [smem:$0x3FB1]  }
0x31: {  	[smem:$0x3FBA] =	sst s10  }
0x32: {  	s10 =	sld [smem:$0x3FB8];
	_ =	sdelay $0x3  }
0x33: {  	p0 =	seq.s32 s10, $0x1;
	s10 =	sld [smem:$0x3FBA];
	_ =	sdelay $0x3  }
0x34: {  	[smem:$0x3FBA] =	sst s10  }
0x35: {  	s10 =	sld [smem:$0x3FB9];
	_ =	sdelay $0x3  }
0x36: {  	p1 =	seq.s32 s10, $0x1;
	s10 =	sld [smem:$0x3FBA];
	_ =	sdelay $0x3  }
0x37: {  	[smem:$0x3FBA] =	sst s10  }
0x38: {  	s10 =	sld [smem:$0x3FBB]  }
0x39: {  	_ = 	snop;
	(pc) =	sbr.ind lr, $3  }
0x3a: {  	_ = 	snop  }
0x3b: {  	_ = 	snop  }
0x3c: {  	p2 =	seq.s32 s10, $0x1;
	s10 =	sld [smem:$0x3FBA]  }
0x3d: {  	_ =	shalt  }
0x3e: {  	_ =	shalt  }
0x3f: {  	_ =	shalt  }
0x40: {  	_ =	shalt  }
0x41: {  	_ =	shalt  }
0x42: {  	_ =	shalt  }
0x43: {  	_ =	shalt  }
0x44: {  	_ =	shalt  }
0x45: {  	_ =	shalt  }
0x46: {  	_ =	shalt  }
0x47: {  	_ =	shalt  }
0x48: {  	_ =	shalt  }
0x49: {  	_ =	shalt  }
0x4a: {  	_ =	shalt  }
0x4b: {  	_ =	shalt  }
0x4c: {  	_ =	shalt  }
0x4d: {  	_ =	shalt  }
0x4e: {  	_ =	shalt  }
0x4f: {  	_ =	shalt  }
0x50: {  	_ =	shalt  }
0x51: {  	_ =	shalt  }
0x52: {  	_ =	shalt  }
0x53: {  	_ =	shalt  }
0x54: {  	_ =	shalt  }
0x55: {  	_ =	shalt  }
0x56: {  	_ =	shalt  }
0x57: {  	_ =	shalt  }
0x58: {  	_ =	shalt  }
0x59: {  	_ =	shalt  }
0x5a: {  	_ =	shalt  }
0x5b: {  	_ =	shalt  }
0x5c: {  	_ =	shalt  }
0x5d: {  	_ =	shalt  }
0x5e: {  	_ =	shalt  }
0x5f: {  	_ =	shalt  }
0x60: {  	_ =	shalt  }
0x61: {  	_ =	shalt  }
0x62: {  	_ =	shalt  }
0x63: {  	_ =	shalt  }
0x64: {  	_ =	shalt  }
0x65: {  	_ =	shalt  }
0x66: {  	_ =	shalt  }
0x67: {  	_ =	shalt  }
0x68: {  	_ =	shalt  }
0x69: {  	_ =	shalt  }
0x6a: {  	_ =	shalt  }
0x6b: {  	_ =	shalt  }
0x6c: {  	_ =	shalt  }
0x6d: {  	_ =	shalt  }
0x6e: {  	_ =	shalt  }
0x6f: {  	_ =	shalt  }
0x70: {  	_ =	shalt  }
0x71: {  	_ =	shalt  }
0x72: {  	_ =	shalt  }
0x73: {  	_ =	shalt  }
0x74: {  	_ =	shalt  }
0x75: {  	_ =	shalt  }
0x76: {  	_ =	shalt  }
0x77: {  	_ =	shalt  }
0x78: {  	_ =	shalt  }
0x79: {  	_ =	shalt  }
0x7a: {  	_ =	shalt  }
0x7b: {  	_ =	shalt  }
0x7c: {  	_ =	shalt  }
0x7d: {  	_ =	shalt  }
0x7e: {  	_ =	shalt  }
0x7f: {  	_ =	shalt  }
0x80: {  	_ =	shalt  }
0x81: {  	_ =	shalt  }
0x82: {  	_ =	shalt  }
0x83: {  	_ =	shalt  }
0x84: {  	_ =	shalt  }
0x85: {  	_ =	shalt  }
0x86: {  	_ =	shalt  }
0x87: {  	_ =	shalt  }
.Lfunc_end0:
.L_simem_size_0:
called_computation_lowered:
.L_overlay_start_0:
0x88: {  	s2 =	sld [smem:$0x3FD9]  }
0x89: {  	s3 =	sld [smem:$0x3FFE];
	_ =	sdelay $0x1  }
0x8a: {  	s1 =	srdreg.scid  }
0x8b: {  	s0 =	sand.u32 $0x1, s1  }
0x8c: {  	s16 =	sshll.u32 s0, $0xA;
	s2 =	sadd.s32 s3, s2  }
0x8d: {  	s2 =	sadd.s32 s2, s16  }
0x8e: {  	[smem:$0x3FC6] =	sst s2  }
0x8f: {  	_ = 	snop  }
0x90: {  	(tm) =	ssettm $0x1  }
0x91: {  	s17 =	sld [smem:$0x3FFB];
	_ =	sdelay $0x3  }
0x92: {  	_ =	strace s17  }
0x93: {  	s2 =	sld [smem:$0x3FFC];
	_ =	sdelay $0x3  }
0x94: {  	_ =	strace s2  }
0x95: {  	s2 =	sld [smem:$0x3FFD];
	_ =	sdelay $0x3  }
0x96: {  	_ =	strace s2  }
0x97: {  	_ =	strace $0x8FFFFFFF  }
0x98: {  	s18 =	sld [smem:$0x3FDB];
	_ =	sdelay $0x1  }
0x99: {  	s19 =	simm.s32 $_scs_section_size  }
0x9a: {  	s4 =	simm.s32 $_size__tile_overlayer_lowered;
	s5 =	simm.s32 $_tile_overlayer_lowered  }
0x9b: {  	s22 =	simm.s32 $0x1BFF;
	s21 =	sshll.u32 s5, $0x1;
	s2 =	sadd.s32 s19, s18  }
0x9c: {  	s6 =	simm.s32 $0x0;
	s20 =	sshll.u32 s4, $0x1;
	s4 =	sadd.s32 s21, s2  }
0x9d: {  	[timem:s6], [sflag:s22] =	dma.local [hbm:s4], s20  }
0x9e: {  	_ =	swait.ge [sflag:s22], s20  }
0x9f: {  	s3 =	ssub.s32 $0x0, s20;
	[sflag:s22] =	ssyncset.done $0x0  }
0xa0: {  	[sflag:s22] =	ssyncadd.s32 s3;
	_ =	sdelay $0x1  }
0xa1: {  	s23 =	simm.s32 $0x1B8B  }
0xa2: {  	_ =	swait.ge [sflag:s23], $0x1  }
0xa3: {  	[sflag:s23] =	ssyncset.done $0x0  }
0xa4: {  	s25 =	simm.s32 $0x1B8E;
	s24 =	sld [smem:$0x3FFE];
	[sflag:s23] =	ssyncadd.s32 $0xFFFFFFFF  }
0xa5: {  	s26 =	simm.s32 $execute0_lowered;
	[smem:$0x3FD2] =	sst s25  }
0xa6: {  	s4 =	sshll.u32 s26, $0x1;
	_ =	strace $0x80000046;
	[dreg:$0x1] =	wrdreg $0xFFFFFFFF  }
0xa7: {  	s28 =	simm.s32 $_size_execute0_lowered;
	s2 =	sadd.s32 s2, s4;
	[dreg:$0x0] =	wrdreg $0x0  }
0xa8: {  	s4 =	sshll.u32 s28, $0x1;
	[dreg:$0x2] =	wrdreg s2  }
0xa9: {  	[dreg:$0x3] =	wrdreg s4  }
0xaa: {  	[dreg:$0x4] =	wrdreg $0xC0  }
0xab: {  	_ =	task [dreg:s6], $0x5FFFF  }
0xac: {  	[dreg:$0x1] =	wrdreg $0xFFFFFFFF  }
0xad: {  	[dreg:$0x0] =	wrdreg $0x60  }
0xae: {  	[dreg:$0x2] =	wrdreg s24  }
0xaf: {  	[dreg:$0x3] =	wrdreg $0x9  }
0xb0: {  	_ =	task.clear_ibuf [dreg:s6], $0x4FFFF;
	_ =	strace $0x90000046  }
0xb1: {  	s29 =	simm.s32 $0x9;
	_ =	strace $0x80000048  }
0xb2: {  	_ =	swait.ge [sflag:s29], $0x1  }
0xb3: {  	[sflag:s29] =	ssyncadd.s32 $0xFFFFFFFF  }
0xb4: {  	_ =	strace $0x90000048  }
0xb5: {  	_ =	sfence  }
0xb6: {  	s30 =	sld [smem:$0x0];
	_ =	sdelay $0x2  }
0xb7: {  	s31 =	sshll.u32 s1, $0xD;
	s1 =	sshrl.u32 s1, $0x2  }
0xb8: {  	s3 =	sand.u32 $0x4000, s31;
	s1 =	sadd.s32 s1, s30  }
0xb9: {  	s0 =	sor.u32 s3, s0;
	s1 =	sshll.u32 s1, $0x11  }
0xba: {  	s0 =	sor.u32 s1, s0  }
0xbb: {  	s0 =	sadd.s32 $0x8F2B, s0  }
0xbc: {  	[sflag:s0] =	ssyncadd.remote.s32 $0x1  }
0xbd: {  	_ =	sfence.sel $0xFFFF  }
0xbe: {  	[dreg:$0x0] =	wrdreg $0xFFFFFFFF;
	(pc) =	sbr.abs _section_cstart, $3  }
0xbf: {  	[dreg:$0x1] =	wrdreg $0xFFFFFFFF  }
0xc0: {  	_ =	task.clear_ibuf [dreg:s6], $0x2FFFF;
	_ =	strace $0x9FFFFFFF  }
0xc1: {  	(tm) =	ssettm $0x7FFFFFFF  }
tec
execute0_lowered:
.L_overlay_start_1:
0x0: {  	(tag) =	ssettag $0x1  }
0x1: {  	s1 =	srdreg.scid  }
0x2: {  	s0 =	stileid.u32;
	s4 =	rddreg [dreg:$0x0]  }
0x3: {  	s2 =	simm.s32 $0x0;
	s11 =	simm.s32 $0x100;
	s12 =	simm.s32 $0x8A00  }
0x4: {  	s13 =	simm.s32 $0x180;
	s14 =	simm.s32 $0xCA00;
	s15 =	simm.s32 $0x200  }
0x5: {  	s16 =	simm.s32 $0x10A00;
	s17 =	simm.s32 $0x14A00;
	s18 =	simm.s32 $0x1  }
0x6: {  	s19 =	simm.s32 $0x2;
	s20 =	simm.s32 $0x0;
	s5 =	sand.u32 $0x1, s1  }
0x7: {  	s3 =	sshll.u32 s0, $0x1;
	[smem:$0x7FF] =	sst s2;
	s7 =	smul.u32 $0x14000, s0  }
0x8: {  	s3 =	sor.u32 s5, s3;
	_ =	strace $0x80000047;
	s10 =	smul.u32 $0xA000, s5  }
0x9: {  	s8 =	ssub.s32 $0x2, s5;
	s6 =	smul.u32 $0x140, s3;
	s3 =	sadd.s32 $0x2800, s4  }
0xa: {  	s9 =	sshrl.u32 s8, $0x1;
	s30 =	sadd.s32 s7, s4;
	s7 =	simm.s32 $0x3  }
0xb: {  	s31 =	ssub.s32 s8, s9;
	s8 =	simm.s32 $0x80;
	s9 =	simm.s32 $0xA00  }
0xc: {  	s29 =	sadd.s32 s6, s4;
	s5 =	smax.u32 s31, $0x1;
	s6 =	sadd.s32 s10, s30  }
0xd: {  	s10 =	simm.s32 $0x4A00;
	s4 =	sadd.s32 $0x2A800, s29;
	s6 =	sadd.s32 $0x2D000, s6  }
.LBB2_1:
0xe: {  	[tilespmem:s2], [sflag:$0x3] =	stream.linear.gather [hbm4b:s4+s2], $0xA00, $0x38;
	[tilespmem:$0x18A00] =	vst v63  }
0xf: {  	s22 =	smul.u32 $0xAB, s2  }
0x10: {  	_ =	swait.ge [sflag:s7], $0xA00  }
0x11: {  	[sflag:s7] =	ssyncset.done $0x0;
	s21 =	sadd.s32 $0x357, s22  }
0x12: {  	s23 =	simm.s32 $0x280;
	[sflag:s7] =	ssyncadd.s32 $0xFFFFF600;
	s21 =	sshrl.u32 s21, $0xA  }
0x13: {  	[tilespmem:s9], [sflag:$0x1] =	stream.indirect.gather [hbm4b:s3+s8], $0x80, s2, s8, $0xb8;
	[tilespmem:$0x18A00] =	vst v63  }
0x14: {  	p0 =	por $0x1, $0x1;
	p3 =	por $0x0, $0x0;
	s21 =	sand.u32 $0x3F, s21  }
0x15: {  	p1 =	por @!p0 $0x0, $0x0;
	s22 =	sshrl.u32 s22, $0xA;
	s21 =	smul.u32 $0x6, s21  }
0x16: {  	[tilespmem:s10], [sflag:$0x1] =	stream.indirect.gather [hbm4b:s3+s8], $0x80, s8, s8, $0xb8;
	[tilespmem:$0x18A00] =	vst v63  }
0x17: {  	p2 =	por @!p3 $0x0, $0x0;
	s22 =	sand.u32 $0x3F, s22;
	s24 =	ssub.s32 $0x0, s21  }
0x18: {  	[tilespmem:s12], [sflag:$0x1] =	stream.indirect.gather [hbm4b:s3+s8], $0x80, s11, s8, $0xb8;
	[tilespmem:$0x18A00] =	vst v63  }
0x19: {  	s28 =	smul.u32 $0x6, s22;
	s21 =	simm.s32 $0x1;
	s24 =	sadd.s32 $0x5, s24  }
0x1a: {  	p1 =	por p1, p0;
	s25 =	sand.u32 $0xFF, s24;
	s24 =	smul.u32 $0xAB, s21  }
0x1b: {  	[tilespmem:s14], [sflag:$0x1] =	stream.indirect.gather [hbm4b:s3+s8], $0x80, s13, s8, $0xb8;
	[tilespmem:$0x18A00] =	vst v63  }
0x1c: {  	p0 =	por p0, p0;
	s29 =	ssub.s32 $0x0, s28;
	s26 =	sadd.s32 $0x357, s24  }
0x1d: {  	[tilespmem:s16], [sflag:$0x1] =	stream.indirect.gather [hbm4b:s3+s8], $0x80, s15, s8, $0xb8;
	[tilespmem:$0x18A00] =	vst v63  }
0x1e: {  	p2 =	por p2, p3;
	s29 =	sand.u32 $0xFF, s29;
	s26 =	sshrl.u32 s26, $0xA  }
0x1f: {  	s22 =	sadd.s32 $0x800, s6;
	s29 =	sshll.u32 s29, $0xE;
	s26 =	sand.u32 $0x3F, s26  }
0x20: {  	[tilespmem:s17], [sflag:$0x1] =	stream.indirect.gather [hbm4b:s3+s8], $0x80, s23, s8, $0xb8;
	[tilespmem:$0x18A00] =	vst v63  }
0x21: {  	s28 =	simm.s32 @!p0 $0x2;
	s29 =	sor.u32 $0xA00, s29;
	s26 =	smul.u32 $0x6, s26  }
0x22: {  	s30 =	sshll.u32 @!p1 s25, $0xE;
	s25 =	simm.s32 $0x2;
	_ =	swait.ge [sflag:s18], $0x4000  }
0x23: {  	p1 =	por p1, p1;
	s26 =	ssub.s32 $0x1, s26;
	[sflag:s18] =	ssyncset.done $0x0  }
0x24: {  	s30 =	sor.u32 @!p1 $0xA00, s30;
	s26 =	sadd.s32 $0x5, s26;
	[sflag:s18] =	ssyncadd.s32 $0xFFFFC000  }
0x25: {  	[hbm4b:s6+s2] =	stream.linear.scatter [tilespmem:s29], [sflag:$0x2], $0x4000, $0x38;
	[tilespmem:$0x18A00] =	vst v63  }
0x26: {  	s31 =	simm.s32 @!p1 $0x80;
	s26 =	sand.u32 $0xFF, s26;
	_ =	swait.ge @!p0 [sflag:s28], $0x4000  }
0x27: {  	s29 =	sshll.u32 @!p2 s26, $0xE;
	s26 =	simm.s32 $0x300;
	[sflag:s28] =	ssyncset.done @!p0 $0x0  }
.LBB2_2:
0x28: {  	s1 =	smul.u32 $0xAB, s25  }
0x29: {  	[sflag:s28] =	ssyncadd.s32 @!p0 $0xFFFFC000;
	s28 =	smov.u32 s21;
	s21 =	smov.u32 s25  }
0x2a: {  	s25 =	sadd.s32 $0x1, s25;
	s0 =	smov.u32 s22;
	p0 =	por p3, p3  }
0x2b: {  	[tilespmem:s30], [sflag:$0x1] =	stream.indirect.gather @!p1 [hbm4b:s3+s31], $0x80, s23, s31, $0xb8;
	[tilespmem:$0x18A00] =	vst v63  }
0x2c: {  	s23 =	sshrl.u32 s24, $0xA  }
0x2d: {  	p4 =	sne.s32 s25, $0x14;
	s24 =	smov.u32 s1;
	s23 =	sand.u32 $0x3F, s23  }
0x2e: {  	s30 =	smov.u32 s29;
	s1 =	sadd.s32 $0x357, s24;
	s29 =	smul.u32 $0x6, s23  }
0x2f: {  	s22 =	sadd.s32 $0x800, s22;
	s23 =	smov.u32 s26;
	s1 =	sshrl.u32 s1, $0xA  }
0x30: {  	p1 =	por p2, p2;
	s1 =	sand.u32 $0x3F, s1;
	s29 =	ssub.s32 s28, s29  }
0x31: {  	s28 =	simm.s32 @!p0 $0x2;
	s1 =	smul.u32 $0x6, s1;
	s29 =	sand.u32 $0xFF, s29  }
0x32: {  	p3 =	seq.s32 s21, $0x0;
	_ =	swait.ge [sflag:s18], $0x4000;
	s29 =	sshll.u32 s29, $0xE  }
0x33: {  	p2 =	sgt.u32 @!p3 s21, $0xE;
	s1 =	ssub.s32 s21, s1;
	s29 =	sor.u32 $0xA00, s29  }
.Ltmp0:
0x34: {  	s1 =	sadd.s32 $0x5, s1;
	[sflag:s18] =	ssyncset.done $0x0;
	(pc) =	sbr.rel @p4 .LBB2_2-.Ltmp0, $4  }
0x35: {  	p2 =	por p2, p3;
	s1 =	sand.u32 $0xFF, s1;
	[sflag:s18] =	ssyncadd.s32 $0xFFFFC000  }
0x36: {  	[hbm4b:s0+s2] =	stream.linear.scatter [tilespmem:s29], [sflag:$0x2], $0x4000, $0x38;
	[tilespmem:$0x18A00] =	vst v63  }
0x37: {  	s26 =	sadd.s32 $0x80, s26;
	s29 =	sshll.u32 @!p2 s1, $0xE;
	_ =	swait.ge @!p0 [sflag:s28], $0x4000  }
0x38: {  	s30 =	sor.u32 @!p1 $0xA00, s30;
	s31 =	simm.s32 @!p1 $0x80;
	[sflag:s28] =	ssyncset.done @!p0 $0x0  }
0x39: {  	s0 =	sshrl.u32 s24, $0xA  }
0x3a: {  	s0 =	sand.u32 $0x3F, s0  }
0x3b: {  	[sflag:s28] =	ssyncadd.s32 @!p0 $0xFFFFC000;
	s0 =	smul.u32 $0x6, s0  }
0x3c: {  	[tilespmem:s30], [sflag:$0x1] =	stream.indirect.gather @!p1 [hbm4b:s3+s31], $0x80, s23, s31, $0xb8;
	[tilespmem:$0x18A00] =	vst v63  }
0x3d: {  	s0 =	ssub.s32 s21, s0  }
0x3e: {  	_ =	swait.ge [sflag:s18], $0x4000;
	s0 =	sand.u32 $0xFF, s0  }
0x3f: {  	p0 =	por p3, p3;
	[sflag:s18] =	ssyncset.done $0x0;
	s0 =	sshll.u32 s0, $0xE  }
0x40: {  	s1 =	simm.s32 @!p0 $0x2;
	[sflag:s18] =	ssyncadd.s32 $0xFFFFC000;
	s0 =	sor.u32 $0xA00, s0  }
0x41: {  	[hbm4b:s22+s2] =	stream.linear.scatter [tilespmem:s0], [sflag:$0x2], $0x4000, $0x38;
	[tilespmem:$0x18A00] =	vst v63  }
0x42: {  	_ =	swait.ge @!p0 [sflag:s1], $0x4000  }
0x43: {  	s20 =	sadd.s32 $0x1, s20;
	[sflag:s1] =	ssyncset.done @!p0 $0x0  }
0x44: {  	p1 =	por p2, p2;
	[sflag:s1] =	ssyncadd.s32 @!p0 $0xFFFFC000;
	p0 =	sne.s32 s20, s5  }
.Ltmp1:
0x45: {  	s21 =	simm.s32 @!p1 $0x80;
	s0 =	sor.u32 @!p1 $0xA00, s29;
	(pc) =	sbr.rel @p0 .LBB2_1-.Ltmp1, $4  }
0x46: {  	[tilespmem:s0], [sflag:$0x1] =	stream.indirect.gather @!p1 [hbm4b:s3+s21], $0x80, s26, s21, $0xb8;
	[tilespmem:$0x18A00] =	vst v63  }
0x47: {  	_ =	swait.ge [sflag:s19], $0x4000  }
0x48: {  	[sflag:s19] =	ssyncset.done $0x0  }
0x49: {  	[sflag:s19] =	ssyncadd.s32 $0xFFFFC000  }
0x4a: {  	_ =	sfence.sel $0x180000  }
0x4b: {  	[bflag:$0x0] =	sbarrier.arrive $0xFFFF  }
0x4c: {  	_ =	strace $0x90000047  }
0x4d: {  	s0 =	stileid.u32;
	[bflag:$0x2] =	sbarrier.arrive $0xFFFF  }
0x4e: {  	p0 =	sne.s32 s0, $0x0;
	s0 =	rddreg [dreg:$0x1]  }
0x4f: {  	s0 =	sadd.s32 @!p0 $0x100000, s0  }
0x50: {  	[sflag:s0] =	ssyncadd.tile.s32 @!p0 $0x1;
	_ =	shalt  }
.Lfunc_end2:
_tile_overlayer_lowered:
.L_overlay_start_2:
0x51: {  	(tag) =	ssettag $0x2  }
0x52: {  	s0 =	rddreg [dreg:$0x0];
	s2 =	stileid.u32  }
0x53: {  	s1 =	rddreg [dreg:$0x1];
	p0 =	sne.s32 s2, $0x0  }
0x54: {  	s3 =	rddreg [dreg:$0x2];
	[bflag:$0x3] =	sbarrier.arrive $0xFFFF;
	s2 =	simm.s32 @!p0 $0x1C03  }
0x55: {  	[timem:s3], [sflag:s2] =	dma.local @!p0 [hbm:s0], s1  }
0x56: {  	s0 =	simm.s32 @!p0 $0x3  }
0x57: {  	_ =	swait.ge @!p0 [sflag:s0], s1  }
0x58: {  	s1 =	ssub.s32 @!p0 $0x0, s1;
	[sflag:s0] =	ssyncset.done @!p0 $0x0  }
0x59: {  	[sflag:s0] =	ssyncadd.s32 @!p0 s1  }
0x5a: {  	[bflag:$0x3] =	sbarrier.arrive $0xFFFF  }
0x5b: {  	_ =	shalt  }

// kernel: kernel.14.cloned.1.call-start
scs
__scs_entry_jumppad:
0x0: {  	(pc) =	sbr.rel $0x88, $3  }
0x1: {  	(tag) =	ssettag $0x0;
	lr =	simm.s32 $0x1  }
0x2: {  	[smem:$0x3F9F] =	sst lr;
	_ =	strace $0xD0000000  }
0x3: {  	_ = 	snop  }
0x4: {  	_ = 	snop  }
0x5: {  	_ = 	snop  }
0x6: {  	_ = 	snop  }
0x7: {  	_ = 	snop  }
__scs_overlays_trampoline_lowered:
0x8: {  	[smem:$0x3FAE] =	sst s0  }
0x9: {  	[smem:$0x3FAF] =	sst s1  }
0xa: {  	[smem:$0x3FB0] =	sst s2  }
0xb: {  	[smem:$0x3FB1] =	sst s3  }
0xc: {  	[smem:$0x3FB2] =	sst s4  }
0xd: {  	[smem:$0x3FB3] =	sst s5  }
0xe: {  	[smem:$0x3FB4] =	sst s6  }
0xf: {  	[smem:$0x3FB5] =	sst s7  }
0x10: {  	[smem:$0x3FB6] =	sst s8  }
0x11: {  	[smem:$0x3FB7] =	sst s9;
	s0 =	simm.s32 @!p0 $0x0  }
0x12: {  	s1 =	sld [smem:$0x3F9D];
	s0 =	simm.s32 @p0 $0x1  }
0x13: {  	[smem:$0x3FB8] =	sst s0;
	s0 =	simm.s32 @!p1 $0x0  }
0x14: {  	s2 =	sld [smem:$0x3F9C];
	s0 =	simm.s32 @p1 $0x1  }
0x15: {  	[smem:$0x3FB9] =	sst s0;
	s0 =	simm.s32 @!p2 $0x0  }
0x16: {  	s3 =	sld [smem:$0x3FDB];
	s0 =	simm.s32 @p2 $0x1  }
0x17: {  	s4 =	simm.s32 $0x1BF5;
	[smem:$0x3FBB] =	sst s0  }
0x18: {  	s0 =	sld [smem:$0x3F9E];
	_ =	swait.ge [sflag:s4], $0x0  }
0x19: {  	s7 =	sld [smem:$0x3F9F]  }
0x1a: {  	s8 =	sadd.s32 $0xFFFFE003, lr  }
0x1b: {  	s9 =	sadd.s32 $0xFFFFFEF7, lr;
	s5 =	simm.s32 $0xFFFFFFFF;
	p2 =	slt.u32 s8, $0xFFFFF086  }
0x1c: {  	p1 =	slt.u32 s9, $0xF7A;
	s5 =	simm.s32 @!p2 $0x0  }
0x1d: {  	s5 =	simm.s32 @p1 $0x1;
	p0 =	seq.s32 s7, s2  }
0x1e: {  	s7 =	smul.u32 @!p0 $0xF7A, s2;
	p2 =	seq.s32 @!p0 s5, $0x0  }
0x1f: {  	s9 =	smul.u32 $0xF7A, s1;
	s8 =	simm.s32 @!p0 $0x1BF5;
	p2 =	por !p2, p0  }
0x20: {  	[sflag:s8] =	ssyncset.s32 @!p0 $0xFFFFF086;
	s6 =	sadd.s32 @!p0 s3, s7;
	s7 =	simm.s32 @!p0 $0x108  }
0x21: {  	s3 =	sadd.s32 s3, s9;
	s6 =	sadd.s32 @!p0 $0x88, s6;
	s7 =	simm.s32 @p2 $0x1082  }
0x22: {  	[simem:s7], [sflag:s8] =	dma.local @!p0 [hbm:s6], $0xF7A  }
0x23: {  	s9 =	sor.u32 $0xD0000000, s2;
	s6 =	simm.s32 $0x108;
	_ =	swait.ge @!p0 [sflag:s8], $0x0  }
0x24: {  	s3 =	sadd.s32 $0x88, s3;
	s6 =	simm.s32 @!p1 $0x1082;
	[sflag:s4] =	ssyncset.s32 $0xFFFFF086  }
0x25: {  	[simem:s6], [sflag:s4] =	dma.local [hbm:s3], $0xF7A  }
0x26: {  	[smem:$0x3F9F] =	sst s1;
	(tag) =	ssettag s2;
	_ =	strace s9  }
0x27: {  	s1 =	sld [smem:$0x3FAF]  }
0x28: {  	s2 =	sld [smem:$0x3FB0]  }
0x29: {  	s4 =	sld [smem:$0x3FB2]  }
0x2a: {  	p0 =	seq.s32 s5, $0x0;
	s5 =	sld [smem:$0x3FB3]  }
0x2b: {  	s6 =	sld [smem:$0x3FB4]  }
0x2c: {  	s7 =	sld [smem:$0x3FB5]  }
0x2d: {  	s3 =	simm.s32 $0x108;
	s8 =	sld [smem:$0x3FB6]  }
0x2e: {  	s3 =	simm.s32 @!p0 $0x1082;
	s9 =	sld [smem:$0x3FB7]  }
0x2f: {  	lr =	sadd.s32 s0, s3;
	s0 =	sld [smem:$0x3FAE]  }
0x30: {  	s3 =	sld [smem:$0x3FB1]  }
0x31: {  	[smem:$0x3FBA] =	sst s10  }
0x32: {  	s10 =	sld [smem:$0x3FB8];
	_ =	sdelay $0x3  }
0x33: {  	p0 =	seq.s32 s10, $0x1;
	s10 =	sld [smem:$0x3FBA];
	_ =	sdelay $0x3  }
0x34: {  	[smem:$0x3FBA] =	sst s10  }
0x35: {  	s10 =	sld [smem:$0x3FB9];
	_ =	sdelay $0x3  }
0x36: {  	p1 =	seq.s32 s10, $0x1;
	s10 =	sld [smem:$0x3FBA];
	_ =	sdelay $0x3  }
0x37: {  	[smem:$0x3FBA] =	sst s10  }
0x38: {  	s10 =	sld [smem:$0x3FBB]  }
0x39: {  	_ = 	snop;
	(pc) =	sbr.ind lr, $3  }
0x3a: {  	_ = 	snop  }
0x3b: {  	_ = 	snop  }
0x3c: {  	p2 =	seq.s32 s10, $0x1;
	s10 =	sld [smem:$0x3FBA]  }
0x3d: {  	_ =	shalt  }
0x3e: {  	_ =	shalt  }
0x3f: {  	_ =	shalt  }
0x40: {  	_ =	shalt  }
0x41: {  	_ =	shalt  }
0x42: {  	_ =	shalt  }
0x43: {  	_ =	shalt  }
0x44: {  	_ =	shalt  }
0x45: {  	_ =	shalt  }
0x46: {  	_ =	shalt  }
0x47: {  	_ =	shalt  }
0x48: {  	_ =	shalt  }
0x49: {  	_ =	shalt  }
0x4a: {  	_ =	shalt  }
0x4b: {  	_ =	shalt  }
0x4c: {  	_ =	shalt  }
0x4d: {  	_ =	shalt  }
0x4e: {  	_ =	shalt  }
0x4f: {  	_ =	shalt  }
0x50: {  	_ =	shalt  }
0x51: {  	_ =	shalt  }
0x52: {  	_ =	shalt  }
0x53: {  	_ =	shalt  }
0x54: {  	_ =	shalt  }
0x55: {  	_ =	shalt  }
0x56: {  	_ =	shalt  }
0x57: {  	_ =	shalt  }
0x58: {  	_ =	shalt  }
0x59: {  	_ =	shalt  }
0x5a: {  	_ =	shalt  }
0x5b: {  	_ =	shalt  }
0x5c: {  	_ =	shalt  }
0x5d: {  	_ =	shalt  }
0x5e: {  	_ =	shalt  }
0x5f: {  	_ =	shalt  }
0x60: {  	_ =	shalt  }
0x61: {  	_ =	shalt  }
0x62: {  	_ =	shalt  }
0x63: {  	_ =	shalt  }
0x64: {  	_ =	shalt  }
0x65: {  	_ =	shalt  }
0x66: {  	_ =	shalt  }
0x67: {  	_ =	shalt  }
0x68: {  	_ =	shalt  }
0x69: {  	_ =	shalt  }
0x6a: {  	_ =	shalt  }
0x6b: {  	_ =	shalt  }
0x6c: {  	_ =	shalt  }
0x6d: {  	_ =	shalt  }
0x6e: {  	_ =	shalt  }
0x6f: {  	_ =	shalt  }
0x70: {  	_ =	shalt  }
0x71: {  	_ =	shalt  }
0x72: {  	_ =	shalt  }
0x73: {  	_ =	shalt  }
0x74: {  	_ =	shalt  }
0x75: {  	_ =	shalt  }
0x76: {  	_ =	shalt  }
0x77: {  	_ =	shalt  }
0x78: {  	_ =	shalt  }
0x79: {  	_ =	shalt  }
0x7a: {  	_ =	shalt  }
0x7b: {  	_ =	shalt  }
0x7c: {  	_ =	shalt  }
0x7d: {  	_ =	shalt  }
0x7e: {  	_ =	shalt  }
0x7f: {  	_ =	shalt  }
0x80: {  	_ =	shalt  }
0x81: {  	_ =	shalt  }
0x82: {  	_ =	shalt  }
0x83: {  	_ =	shalt  }
0x84: {  	_ =	shalt  }
0x85: {  	_ =	shalt  }
0x86: {  	_ =	shalt  }
0x87: {  	_ =	shalt  }
.Lfunc_end0:
.L_simem_size_0:
called_computation.1_lowered:
.L_overlay_start_0:
0x88: {  	s2 =	sld [smem:$0x3FD9]  }
0x89: {  	s3 =	sld [smem:$0x3FFE];
	_ =	sdelay $0x1  }
0x8a: {  	s1 =	srdreg.scid  }
0x8b: {  	s0 =	sand.u32 $0x1, s1  }
0x8c: {  	s17 =	sshll.u32 s0, $0xA;
	s2 =	sadd.s32 s3, s2  }
0x8d: {  	s2 =	sadd.s32 s2, s17  }
0x8e: {  	[smem:$0x3FC6] =	sst s2  }
0x8f: {  	_ = 	snop  }
0x90: {  	s18 =	sld [smem:$0x3FD0];
	(tm) =	ssettm $0x1  }
0x91: {  	s19 =	sld [smem:$0x3FFB];
	_ =	sdelay $0x3  }
0x92: {  	_ =	strace s19  }
0x93: {  	s2 =	sld [smem:$0x3FFC];
	_ =	sdelay $0x3  }
0x94: {  	_ =	strace s2  }
0x95: {  	s2 =	sld [smem:$0x3FFD];
	_ =	sdelay $0x3  }
0x96: {  	_ =	strace s2  }
0x97: {  	_ =	strace $0x8FFFFFFF  }
0x98: {  	s20 =	sld [smem:$0x3FDB];
	_ =	sdelay $0x1  }
0x99: {  	s4 =	simm.s32 $_scs_section_size  }
0x9a: {  	s5 =	simm.s32 $_size__tile_overlayer_lowered;
	s6 =	simm.s32 $_tile_overlayer_lowered  }
0x9b: {  	s7 =	simm.s32 $0x1BFF;
	s21 =	sshll.u32 s6, $0x1;
	s4 =	sadd.s32 s4, s20  }
0x9c: {  	s22 =	simm.s32 $0x0;
	s5 =	sshll.u32 s5, $0x1;
	s6 =	sadd.s32 s21, s4  }
0x9d: {  	[timem:s22], [sflag:s7] =	dma.local [hbm:s6], s5  }
0x9e: {  	_ =	swait.ge [sflag:s7], s5  }
0x9f: {  	s5 =	ssub.s32 $0x0, s5;
	[sflag:s7] =	ssyncset.done $0x0  }
0xa0: {  	[sflag:s7] =	ssyncadd.s32 s5;
	_ =	sdelay $0x1  }
0xa1: {  	s23 =	simm.s32 $0x1B8B  }
0xa2: {  	_ =	swait.ge [sflag:s23], $0x1  }
0xa3: {  	[sflag:s23] =	ssyncset.done $0x0  }
0xa4: {  	[sflag:s23] =	ssyncadd.s32 $0xFFFFFFFF  }
0xa5: {  	s5 =	sld [smem:$0x0]  }
0xa6: {  	s6 =	sand.u32 $0xFFFFFFFE, s1  }
0xa7: {  	p0 =	sne.s32 s1, s6  }
0xa8: {  	s6 =	sshll.u32 @p0 s6, $0xE  }
0xa9: {  	s6 =	sadd.s32 @p0 $0x11B8D, s6;
	s7 =	sshll.u32 @p0 s5, $0x11  }
0xaa: {  	s6 =	sor.u32 @p0 s7, s6  }
0xab: {  	[sflag:s6] =	ssyncadd.remote.s32 @p0 $0x1;
	_ =	sdelay $0x1  }
0xac: {  	s6 =	simm.s32 @p0 $0x1B8D  }
0xad: {  	_ =	swait.eq @p0 [sflag:s6], $0x1  }
0xae: {  	[sflag:s6] =	ssyncadd.s32 @p0 $0xFFFFFFFF  }
0xaf: {  	s7 =	sshll.u32 @!p0 s1, $0xE  }
0xb0: {  	s7 =	sor.u32 @!p0 $0x4000, s7;
	s6 =	simm.s32 @!p0 $0x1B8D  }
0xb1: {  	s5 =	sshll.u32 @!p0 s5, $0x11;
	s7 =	sadd.s32 @!p0 $0x11B8D, s7;
	_ =	swait.eq @!p0 [sflag:s6], $0x1  }
0xb2: {  	s5 =	sor.u32 @!p0 s5, s7;
	[sflag:s6] =	ssyncadd.s32 @!p0 $0xFFFFFFFF  }
0xb3: {  	s25 =	simm.s32 $0x1B8E;
	s24 =	sld [smem:$0x3FFE];
	[sflag:s5] =	ssyncadd.remote.s32 @!p0 $0x1  }
0xb4: {  	s26 =	simm.s32 $execute0_lowered;
	[smem:$0x3FD2] =	sst s25  }
0xb5: {  	s6 =	sshll.u32 s26, $0x1;
	_ =	strace $0x8000004C;
	[dreg:$0x1] =	wrdreg $0xFFFFFFFF  }
0xb6: {  	s28 =	simm.s32 $_size_execute0_lowered;
	s4 =	sadd.s32 s4, s6;
	[dreg:$0x0] =	wrdreg $0x0  }
0xb7: {  	s6 =	sshll.u32 s28, $0x1;
	[dreg:$0x2] =	wrdreg s4  }
0xb8: {  	[dreg:$0x3] =	wrdreg s6  }
0xb9: {  	[dreg:$0x4] =	wrdreg $0xC0  }
0xba: {  	_ =	task [dreg:s22], $0x5FFFF  }
0xbb: {  	[dreg:$0x1] =	wrdreg $0xFFFFFFFF  }
0xbc: {  	[dreg:$0x0] =	wrdreg $0x60  }
0xbd: {  	[dreg:$0x2] =	wrdreg s24  }
0xbe: {  	[dreg:$0x3] =	wrdreg s18  }
0xbf: {  	[dreg:$0x4] =	wrdreg $0xA  }
0xc0: {  	_ =	task.clear_ibuf [dreg:s22], $0x5FFFF;
	_ =	strace $0x9000004C  }
0xc1: {  	s29 =	simm.s32 $0xA;
	_ =	strace $0x8000004E  }
0xc2: {  	_ =	swait.ge [sflag:s29], $0x1  }
0xc3: {  	[sflag:s29] =	ssyncadd.s32 $0xFFFFFFFF  }
0xc4: {  	_ =	strace $0x9000004E  }
0xc5: {  	_ =	sfence  }
0xc6: {  	s30 =	sld [smem:$0x0];
	_ =	sdelay $0x2  }
0xc7: {  	s31 =	sshll.u32 s1, $0xD;
	s1 =	sshrl.u32 s1, $0x2  }
0xc8: {  	s4 =	sand.u32 $0x4000, s31;
	s1 =	sadd.s32 s1, s30  }
0xc9: {  	s0 =	sor.u32 s4, s0;
	s1 =	sshll.u32 s1, $0x11  }
0xca: {  	s0 =	sor.u32 s1, s0  }
0xcb: {  	s0 =	sadd.s32 $0x8F2B, s0  }
0xcc: {  	[sflag:s0] =	ssyncadd.remote.s32 $0x1  }
0xcd: {  	_ =	sfence.sel $0xFFFF  }
0xce: {  	[dreg:$0x0] =	wrdreg $0xFFFFFFFF;
	(pc) =	sbr.abs _section_cstart, $3  }
0xcf: {  	[dreg:$0x1] =	wrdreg $0xFFFFFFFF  }
0xd0: {  	_ =	task.clear_ibuf [dreg:s22], $0x2FFFF;
	_ =	strace $0x9FFFFFFF  }
0xd1: {  	(tm) =	ssettm $0x7FFFFFFF  }
tec
execute0_lowered:
.L_overlay_start_1:
0x0: {  	(tag) =	ssettag $0x1  }
0x1: {  	s4 =	rddreg [dreg:$0x0]  }
0x2: {  	s5 =	rddreg [dreg:$0x1];
	s0 =	stileid.u32  }
0x3: {  	s2 =	srdreg.scid;
	s11 =	simm.s32 $0x100;
	s12 =	simm.s32 $0x8A00  }
0x4: {  	s13 =	simm.s32 $0x180;
	s14 =	simm.s32 $0xCA00;
	s15 =	simm.s32 $0x200  }
0x5: {  	s16 =	simm.s32 $0x10A00;
	s17 =	simm.s32 $0x14A00;
	s18 =	simm.s32 $0x1  }
0x6: {  	s19 =	simm.s32 $0x2;
	s20 =	simm.s32 $0x0;
	s3 =	sand.u32 $0x1, s2  }
0x7: {  	s6 =	sshll.u32 s0, $0x1;
	s2 =	simm.s32 $0x0;
	s7 =	smul.u32 $0x14000, s0  }
0x8: {  	s6 =	sor.u32 s3, s6;
	[smem:$0x7FF] =	sst s2;
	s10 =	smul.u32 $0xA000, s3  }
0x9: {  	s8 =	ssub.s32 $0x2, s3;
	s3 =	sadd.s32 $0x2800, s4;
	s6 =	smul.u32 $0x140, s6  }
0xa: {  	_ =	strace $0x8000004D;
	s9 =	sshrl.u32 s8, $0x1;
	s7 =	sadd.s32 s7, s4  }
0xb: {  	s8 =	ssub.s32 s8, s9;
	s31 =	sadd.s32 s10, s7;
	s7 =	simm.s32 $0x3  }
0xc: {  	s9 =	simm.s32 $0xA00;
	s10 =	simm.s32 $0x4A00;
	s4 =	sadd.s32 s5, s6  }
0xd: {  	s5 =	smax.u32 s8, $0x1;
	s6 =	sadd.s32 $0x2B2000, s31;
	s8 =	simm.s32 $0x80  }
.LBB2_1:
0xe: {  	[tilespmem:s2], [sflag:$0x3] =	stream.linear.gather [hbm4b:s4+s2], $0xA00, $0x38;
	[tilespmem:$0x18A00] =	vst v63  }
0xf: {  	s22 =	smul.u32 $0xAB, s2  }
0x10: {  	_ =	swait.ge [sflag:s7], $0xA00  }
0x11: {  	[sflag:s7] =	ssyncset.done $0x0;
	s21 =	sadd.s32 $0x357, s22  }
0x12: {  	s23 =	simm.s32 $0x280;
	[sflag:s7] =	ssyncadd.s32 $0xFFFFF600;
	s21 =	sshrl.u32 s21, $0xA  }
0x13: {  	[tilespmem:s9], [sflag:$0x1] =	stream.indirect.gather [hbm4b:s3+s8], $0x80, s2, s8, $0xb8;
	[tilespmem:$0x18A00] =	vst v63  }
0x14: {  	p0 =	por $0x1, $0x1;
	p3 =	por $0x0, $0x0;
	s21 =	sand.u32 $0x3F, s21  }
0x15: {  	p1 =	por @!p0 $0x0, $0x0;
	s22 =	sshrl.u32 s22, $0xA;
	s21 =	smul.u32 $0x6, s21  }
0x16: {  	[tilespmem:s10], [sflag:$0x1] =	stream.indirect.gather [hbm4b:s3+s8], $0x80, s8, s8, $0xb8;
	[tilespmem:$0x18A00] =	vst v63  }
0x17: {  	p2 =	por @!p3 $0x0, $0x0;
	s22 =	sand.u32 $0x3F, s22;
	s24 =	ssub.s32 $0x0, s21  }
0x18: {  	[tilespmem:s12], [sflag:$0x1] =	stream.indirect.gather [hbm4b:s3+s8], $0x80, s11, s8, $0xb8;
	[tilespmem:$0x18A00] =	vst v63  }
0x19: {  	s28 =	smul.u32 $0x6, s22;
	s21 =	simm.s32 $0x1;
	s24 =	sadd.s32 $0x5, s24  }
0x1a: {  	p1 =	por p1, p0;
	s25 =	sand.u32 $0xFF, s24;
	s24 =	smul.u32 $0xAB, s21  }
0x1b: {  	[tilespmem:s14], [sflag:$0x1] =	stream.indirect.gather [hbm4b:s3+s8], $0x80, s13, s8, $0xb8;
	[tilespmem:$0x18A00] =	vst v63  }
0x1c: {  	p0 =	por p0, p0;
	s29 =	ssub.s32 $0x0, s28;
	s26 =	sadd.s32 $0x357, s24  }
0x1d: {  	[tilespmem:s16], [sflag:$0x1] =	stream.indirect.gather [hbm4b:s3+s8], $0x80, s15, s8, $0xb8;
	[tilespmem:$0x18A00] =	vst v63  }
0x1e: {  	p2 =	por p2, p3;
	s29 =	sand.u32 $0xFF, s29;
	s26 =	sshrl.u32 s26, $0xA  }
0x1f: {  	s22 =	sadd.s32 $0x800, s6;
	s29 =	sshll.u32 s29, $0xE;
	s26 =	sand.u32 $0x3F, s26  }
0x20: {  	[tilespmem:s17], [sflag:$0x1] =	stream.indirect.gather [hbm4b:s3+s8], $0x80, s23, s8, $0xb8;
	[tilespmem:$0x18A00] =	vst v63  }
0x21: {  	s28 =	simm.s32 @!p0 $0x2;
	s29 =	sor.u32 $0xA00, s29;
	s26 =	smul.u32 $0x6, s26  }
0x22: {  	s30 =	sshll.u32 @!p1 s25, $0xE;
	s25 =	simm.s32 $0x2;
	_ =	swait.ge [sflag:s18], $0x4000  }
0x23: {  	p1 =	por p1, p1;
	s26 =	ssub.s32 $0x1, s26;
	[sflag:s18] =	ssyncset.done $0x0  }
0x24: {  	s30 =	sor.u32 @!p1 $0xA00, s30;
	s26 =	sadd.s32 $0x5, s26;
	[sflag:s18] =	ssyncadd.s32 $0xFFFFC000  }
0x25: {  	[hbm4b:s6+s2] =	stream.linear.scatter [tilespmem:s29], [sflag:$0x2], $0x4000, $0x38;
	[tilespmem:$0x18A00] =	vst v63  }
0x26: {  	s31 =	simm.s32 @!p1 $0x80;
	s26 =	sand.u32 $0xFF, s26;
	_ =	swait.ge @!p0 [sflag:s28], $0x4000  }
0x27: {  	s29 =	sshll.u32 @!p2 s26, $0xE;
	s26 =	simm.s32 $0x300;
	[sflag:s28] =	ssyncset.done @!p0 $0x0  }
.LBB2_2:
0x28: {  	s0 =	smul.u32 $0xAB, s25  }
0x29: {  	[sflag:s28] =	ssyncadd.s32 @!p0 $0xFFFFC000;
	s28 =	smov.u32 s21;
	s21 =	smov.u32 s25  }
0x2a: {  	s25 =	sadd.s32 $0x1, s25;
	s1 =	smov.u32 s22;
	p0 =	por p3, p3  }
0x2b: {  	[tilespmem:s30], [sflag:$0x1] =	stream.indirect.gather @!p1 [hbm4b:s3+s31], $0x80, s23, s31, $0xb8;
	[tilespmem:$0x18A00] =	vst v63  }
0x2c: {  	s23 =	sshrl.u32 s24, $0xA  }
0x2d: {  	p4 =	sne.s32 s25, $0x14;
	s24 =	smov.u32 s0;
	s23 =	sand.u32 $0x3F, s23  }
0x2e: {  	s30 =	smov.u32 s29;
	s0 =	sadd.s32 $0x357, s24;
	s29 =	smul.u32 $0x6, s23  }
0x2f: {  	s22 =	sadd.s32 $0x800, s22;
	s23 =	smov.u32 s26;
	s0 =	sshrl.u32 s0, $0xA  }
0x30: {  	p1 =	por p2, p2;
	s0 =	sand.u32 $0x3F, s0;
	s29 =	ssub.s32 s28, s29  }
0x31: {  	s28 =	simm.s32 @!p0 $0x2;
	s0 =	smul.u32 $0x6, s0;
	s29 =	sand.u32 $0xFF, s29  }
0x32: {  	p3 =	seq.s32 s21, $0x0;
	_ =	swait.ge [sflag:s18], $0x4000;
	s29 =	sshll.u32 s29, $0xE  }
0x33: {  	p2 =	sgt.u32 @!p3 s21, $0xE;
	s0 =	ssub.s32 s21, s0;
	s29 =	sor.u32 $0xA00, s29  }
.Ltmp0:
0x34: {  	s0 =	sadd.s32 $0x5, s0;
	[sflag:s18] =	ssyncset.done $0x0;
	(pc) =	sbr.rel @p4 .LBB2_2-.Ltmp0, $4  }
0x35: {  	p2 =	por p2, p3;
	s0 =	sand.u32 $0xFF, s0;
	[sflag:s18] =	ssyncadd.s32 $0xFFFFC000  }
0x36: {  	[hbm4b:s1+s2] =	stream.linear.scatter [tilespmem:s29], [sflag:$0x2], $0x4000, $0x38;
	[tilespmem:$0x18A00] =	vst v63  }
0x37: {  	s26 =	sadd.s32 $0x80, s26;
	s29 =	sshll.u32 @!p2 s0, $0xE;
	_ =	swait.ge @!p0 [sflag:s28], $0x4000  }
0x38: {  	s30 =	sor.u32 @!p1 $0xA00, s30;
	s31 =	simm.s32 @!p1 $0x80;
	[sflag:s28] =	ssyncset.done @!p0 $0x0  }
0x39: {  	s0 =	sshrl.u32 s24, $0xA  }
0x3a: {  	s0 =	sand.u32 $0x3F, s0  }
0x3b: {  	[sflag:s28] =	ssyncadd.s32 @!p0 $0xFFFFC000;
	s0 =	smul.u32 $0x6, s0  }
0x3c: {  	[tilespmem:s30], [sflag:$0x1] =	stream.indirect.gather @!p1 [hbm4b:s3+s31], $0x80, s23, s31, $0xb8;
	[tilespmem:$0x18A00] =	vst v63  }
0x3d: {  	s0 =	ssub.s32 s21, s0  }
0x3e: {  	_ =	swait.ge [sflag:s18], $0x4000;
	s0 =	sand.u32 $0xFF, s0  }
0x3f: {  	p0 =	por p3, p3;
	[sflag:s18] =	ssyncset.done $0x0;
	s0 =	sshll.u32 s0, $0xE  }
0x40: {  	s1 =	simm.s32 @!p0 $0x2;
	[sflag:s18] =	ssyncadd.s32 $0xFFFFC000;
	s0 =	sor.u32 $0xA00, s0  }
0x41: {  	[hbm4b:s22+s2] =	stream.linear.scatter [tilespmem:s0], [sflag:$0x2], $0x4000, $0x38;
	[tilespmem:$0x18A00] =	vst v63  }
0x42: {  	_ =	swait.ge @!p0 [sflag:s1], $0x4000  }
0x43: {  	s20 =	sadd.s32 $0x1, s20;
	[sflag:s1] =	ssyncset.done @!p0 $0x0  }
0x44: {  	p1 =	por p2, p2;
	[sflag:s1] =	ssyncadd.s32 @!p0 $0xFFFFC000;
	p0 =	sne.s32 s20, s5  }
.Ltmp1:
0x45: {  	s21 =	simm.s32 @!p1 $0x80;
	s0 =	sor.u32 @!p1 $0xA00, s29;
	(pc) =	sbr.rel @p0 .LBB2_1-.Ltmp1, $4  }
0x46: {  	[tilespmem:s0], [sflag:$0x1] =	stream.indirect.gather @!p1 [hbm4b:s3+s21], $0x80, s26, s21, $0xb8;
	[tilespmem:$0x18A00] =	vst v63  }
0x47: {  	_ =	swait.ge [sflag:s19], $0x4000  }
0x48: {  	[sflag:s19] =	ssyncset.done $0x0  }
0x49: {  	[sflag:s19] =	ssyncadd.s32 $0xFFFFC000  }
0x4a: {  	_ =	sfence.sel $0x180000  }
0x4b: {  	[bflag:$0x0] =	sbarrier.arrive $0xFFFF  }
0x4c: {  	_ =	strace $0x9000004D  }
0x4d: {  	s0 =	stileid.u32;
	[bflag:$0x2] =	sbarrier.arrive $0xFFFF  }
0x4e: {  	p0 =	sne.s32 s0, $0x0;
	s0 =	rddreg [dreg:$0x2]  }
0x4f: {  	s0 =	sadd.s32 @!p0 $0x100000, s0  }
0x50: {  	[sflag:s0] =	ssyncadd.tile.s32 @!p0 $0x1;
	_ =	shalt  }
.Lfunc_end2:
_tile_overlayer_lowered:
.L_overlay_start_2:
0x51: {  	(tag) =	ssettag $0x2  }
0x52: {  	s0 =	rddreg [dreg:$0x0];
	s2 =	stileid.u32  }
0x53: {  	s1 =	rddreg [dreg:$0x1];
	p0 =	sne.s32 s2, $0x0  }
0x54: {  	s3 =	rddreg [dreg:$0x2];
	[bflag:$0x3] =	sbarrier.arrive $0xFFFF;
	s2 =	simm.s32 @!p0 $0x1C03  }
0x55: {  	[timem:s3], [sflag:s2] =	dma.local @!p0 [hbm:s0], s1  }
0x56: {  	s0 =	simm.s32 @!p0 $0x3  }
0x57: {  	_ =	swait.ge @!p0 [sflag:s0], s1  }
0x58: {  	s1 =	ssub.s32 @!p0 $0x0, s1;
	[sflag:s0] =	ssyncset.done @!p0 $0x0  }
0x59: {  	[sflag:s0] =	ssyncadd.s32 @!p0 s1  }
0x5a: {  	[bflag:$0x3] =	sbarrier.arrive $0xFFFF  }
0x5b: {  	_ =	shalt  }

// kernel: kernel.17.cloned.1.call-start
scs
__scs_entry_jumppad:
0x0: {  	(pc) =	sbr.rel $0x88, $3  }
0x1: {  	(tag) =	ssettag $0x0;
	lr =	simm.s32 $0x1  }
0x2: {  	[smem:$0x3F9F] =	sst lr;
	_ =	strace $0xD0000000  }
0x3: {  	_ = 	snop  }
0x4: {  	_ = 	snop  }
0x5: {  	_ = 	snop  }
0x6: {  	_ = 	snop  }
0x7: {  	_ = 	snop  }
__scs_overlays_trampoline_lowered:
0x8: {  	[smem:$0x3FAE] =	sst s0  }
0x9: {  	[smem:$0x3FAF] =	sst s1  }
0xa: {  	[smem:$0x3FB0] =	sst s2  }
0xb: {  	[smem:$0x3FB1] =	sst s3  }
0xc: {  	[smem:$0x3FB2] =	sst s4  }
0xd: {  	[smem:$0x3FB3] =	sst s5  }
0xe: {  	[smem:$0x3FB4] =	sst s6  }
0xf: {  	[smem:$0x3FB5] =	sst s7  }
0x10: {  	[smem:$0x3FB6] =	sst s8  }
0x11: {  	[smem:$0x3FB7] =	sst s9;
	s0 =	simm.s32 @!p0 $0x0  }
0x12: {  	s1 =	sld [smem:$0x3F9D];
	s0 =	simm.s32 @p0 $0x1  }
0x13: {  	[smem:$0x3FB8] =	sst s0;
	s0 =	simm.s32 @!p1 $0x0  }
0x14: {  	s2 =	sld [smem:$0x3F9C];
	s0 =	simm.s32 @p1 $0x1  }
0x15: {  	[smem:$0x3FB9] =	sst s0;
	s0 =	simm.s32 @!p2 $0x0  }
0x16: {  	s3 =	sld [smem:$0x3FDB];
	s0 =	simm.s32 @p2 $0x1  }
0x17: {  	s4 =	simm.s32 $0x1BF5;
	[smem:$0x3FBB] =	sst s0  }
0x18: {  	s0 =	sld [smem:$0x3F9E];
	_ =	swait.ge [sflag:s4], $0x0  }
0x19: {  	s7 =	sld [smem:$0x3F9F]  }
0x1a: {  	s8 =	sadd.s32 $0xFFFFE003, lr  }
0x1b: {  	s9 =	sadd.s32 $0xFFFFFEF7, lr;
	s5 =	simm.s32 $0xFFFFFFFF;
	p2 =	slt.u32 s8, $0xFFFFF086  }
0x1c: {  	p1 =	slt.u32 s9, $0xF7A;
	s5 =	simm.s32 @!p2 $0x0  }
0x1d: {  	s5 =	simm.s32 @p1 $0x1;
	p0 =	seq.s32 s7, s2  }
0x1e: {  	s7 =	smul.u32 @!p0 $0xF7A, s2;
	p2 =	seq.s32 @!p0 s5, $0x0  }
0x1f: {  	s9 =	smul.u32 $0xF7A, s1;
	s8 =	simm.s32 @!p0 $0x1BF5;
	p2 =	por !p2, p0  }
0x20: {  	[sflag:s8] =	ssyncset.s32 @!p0 $0xFFFFF086;
	s6 =	sadd.s32 @!p0 s3, s7;
	s7 =	simm.s32 @!p0 $0x108  }
0x21: {  	s3 =	sadd.s32 s3, s9;
	s6 =	sadd.s32 @!p0 $0x88, s6;
	s7 =	simm.s32 @p2 $0x1082  }
0x22: {  	[simem:s7], [sflag:s8] =	dma.local @!p0 [hbm:s6], $0xF7A  }
0x23: {  	s9 =	sor.u32 $0xD0000000, s2;
	s6 =	simm.s32 $0x108;
	_ =	swait.ge @!p0 [sflag:s8], $0x0  }
0x24: {  	s3 =	sadd.s32 $0x88, s3;
	s6 =	simm.s32 @!p1 $0x1082;
	[sflag:s4] =	ssyncset.s32 $0xFFFFF086  }
0x25: {  	[simem:s6], [sflag:s4] =	dma.local [hbm:s3], $0xF7A  }
0x26: {  	[smem:$0x3F9F] =	sst s1;
	(tag) =	ssettag s2;
	_ =	strace s9  }
0x27: {  	s1 =	sld [smem:$0x3FAF]  }
0x28: {  	s2 =	sld [smem:$0x3FB0]  }
0x29: {  	s4 =	sld [smem:$0x3FB2]  }
0x2a: {  	p0 =	seq.s32 s5, $0x0;
	s5 =	sld [smem:$0x3FB3]  }
0x2b: {  	s6 =	sld [smem:$0x3FB4]  }
0x2c: {  	s7 =	sld [smem:$0x3FB5]  }
0x2d: {  	s3 =	simm.s32 $0x108;
	s8 =	sld [smem:$0x3FB6]  }
0x2e: {  	s3 =	simm.s32 @!p0 $0x1082;
	s9 =	sld [smem:$0x3FB7]  }
0x2f: {  	lr =	sadd.s32 s0, s3;
	s0 =	sld [smem:$0x3FAE]  }
0x30: {  	s3 =	sld [smem:$0x3FB1]  }
0x31: {  	[smem:$0x3FBA] =	sst s10  }
0x32: {  	s10 =	sld [smem:$0x3FB8];
	_ =	sdelay $0x3  }
0x33: {  	p0 =	seq.s32 s10, $0x1;
	s10 =	sld [smem:$0x3FBA];
	_ =	sdelay $0x3  }
0x34: {  	[smem:$0x3FBA] =	sst s10  }
0x35: {  	s10 =	sld [smem:$0x3FB9];
	_ =	sdelay $0x3  }
0x36: {  	p1 =	seq.s32 s10, $0x1;
	s10 =	sld [smem:$0x3FBA];
	_ =	sdelay $0x3  }
0x37: {  	[smem:$0x3FBA] =	sst s10  }
0x38: {  	s10 =	sld [smem:$0x3FBB]  }
0x39: {  	_ = 	snop;
	(pc) =	sbr.ind lr, $3  }
0x3a: {  	_ = 	snop  }
0x3b: {  	_ = 	snop  }
0x3c: {  	p2 =	seq.s32 s10, $0x1;
	s10 =	sld [smem:$0x3FBA]  }
0x3d: {  	_ =	shalt  }
0x3e: {  	_ =	shalt  }
0x3f: {  	_ =	shalt  }
0x40: {  	_ =	shalt  }
0x41: {  	_ =	shalt  }
0x42: {  	_ =	shalt  }
0x43: {  	_ =	shalt  }
0x44: {  	_ =	shalt  }
0x45: {  	_ =	shalt  }
0x46: {  	_ =	shalt  }
0x47: {  	_ =	shalt  }
0x48: {  	_ =	shalt  }
0x49: {  	_ =	shalt  }
0x4a: {  	_ =	shalt  }
0x4b: {  	_ =	shalt  }
0x4c: {  	_ =	shalt  }
0x4d: {  	_ =	shalt  }
0x4e: {  	_ =	shalt  }
0x4f: {  	_ =	shalt  }
0x50: {  	_ =	shalt  }
0x51: {  	_ =	shalt  }
0x52: {  	_ =	shalt  }
0x53: {  	_ =	shalt  }
0x54: {  	_ =	shalt  }
0x55: {  	_ =	shalt  }
0x56: {  	_ =	shalt  }
0x57: {  	_ =	shalt  }
0x58: {  	_ =	shalt  }
0x59: {  	_ =	shalt  }
0x5a: {  	_ =	shalt  }
0x5b: {  	_ =	shalt  }
0x5c: {  	_ =	shalt  }
0x5d: {  	_ =	shalt  }
0x5e: {  	_ =	shalt  }
0x5f: {  	_ =	shalt  }
0x60: {  	_ =	shalt  }
0x61: {  	_ =	shalt  }
0x62: {  	_ =	shalt  }
0x63: {  	_ =	shalt  }
0x64: {  	_ =	shalt  }
0x65: {  	_ =	shalt  }
0x66: {  	_ =	shalt  }
0x67: {  	_ =	shalt  }
0x68: {  	_ =	shalt  }
0x69: {  	_ =	shalt  }
0x6a: {  	_ =	shalt  }
0x6b: {  	_ =	shalt  }
0x6c: {  	_ =	shalt  }
0x6d: {  	_ =	shalt  }
0x6e: {  	_ =	shalt  }
0x6f: {  	_ =	shalt  }
0x70: {  	_ =	shalt  }
0x71: {  	_ =	shalt  }
0x72: {  	_ =	shalt  }
0x73: {  	_ =	shalt  }
0x74: {  	_ =	shalt  }
0x75: {  	_ =	shalt  }
0x76: {  	_ =	shalt  }
0x77: {  	_ =	shalt  }
0x78: {  	_ =	shalt  }
0x79: {  	_ =	shalt  }
0x7a: {  	_ =	shalt  }
0x7b: {  	_ =	shalt  }
0x7c: {  	_ =	shalt  }
0x7d: {  	_ =	shalt  }
0x7e: {  	_ =	shalt  }
0x7f: {  	_ =	shalt  }
0x80: {  	_ =	shalt  }
0x81: {  	_ =	shalt  }
0x82: {  	_ =	shalt  }
0x83: {  	_ =	shalt  }
0x84: {  	_ =	shalt  }
0x85: {  	_ =	shalt  }
0x86: {  	_ =	shalt  }
0x87: {  	_ =	shalt  }
.Lfunc_end0:
.L_simem_size_0:
called_computation.2_lowered:
.L_overlay_start_0:
0x88: {  	s2 =	sld [smem:$0x3FD9]  }
0x89: {  	s3 =	sld [smem:$0x3FFE];
	_ =	sdelay $0x1  }
0x8a: {  	s1 =	srdreg.scid  }
0x8b: {  	s0 =	sand.u32 $0x1, s1  }
0x8c: {  	s17 =	sshll.u32 s0, $0xA;
	s2 =	sadd.s32 s3, s2  }
0x8d: {  	s2 =	sadd.s32 s2, s17  }
0x8e: {  	[smem:$0x3FC6] =	sst s2  }
0x8f: {  	_ = 	snop  }
0x90: {  	(tm) =	ssettm $0x1  }
0x91: {  	s18 =	sld [smem:$0x3FFB];
	_ =	sdelay $0x3  }
0x92: {  	_ =	strace s18  }
0x93: {  	s2 =	sld [smem:$0x3FFC];
	_ =	sdelay $0x3  }
0x94: {  	_ =	strace s2  }
0x95: {  	s2 =	sld [smem:$0x3FFD];
	_ =	sdelay $0x3  }
0x96: {  	_ =	strace s2  }
0x97: {  	_ =	strace $0x8FFFFFFF  }
0x98: {  	s19 =	sld [smem:$0x3FDB];
	_ =	sdelay $0x1  }
0x99: {  	s20 =	simm.s32 $_scs_section_size  }
0x9a: {  	s4 =	simm.s32 $_size__tile_overlayer_lowered;
	s5 =	simm.s32 $_tile_overlayer_lowered  }
0x9b: {  	s6 =	simm.s32 $0x1BFF;
	s21 =	sshll.u32 s5, $0x1;
	s3 =	sadd.s32 s20, s19  }
0x9c: {  	s22 =	simm.s32 $0x0;
	s4 =	sshll.u32 s4, $0x1;
	s5 =	sadd.s32 s21, s3  }
0x9d: {  	[timem:s22], [sflag:s6] =	dma.local [hbm:s5], s4  }
0x9e: {  	_ =	swait.ge [sflag:s6], s4  }
0x9f: {  	s4 =	ssub.s32 $0x0, s4;
	[sflag:s6] =	ssyncset.done $0x0  }
0xa0: {  	[sflag:s6] =	ssyncadd.s32 s4;
	_ =	sdelay $0x1  }
0xa1: {  	s23 =	simm.s32 $0x1B8B  }
0xa2: {  	_ =	swait.ge [sflag:s23], $0x1  }
0xa3: {  	[sflag:s23] =	ssyncset.done $0x0  }
0xa4: {  	[sflag:s23] =	ssyncadd.s32 $0xFFFFFFFF  }
0xa5: {  	s4 =	sld [smem:$0x0]  }
0xa6: {  	s5 =	sand.u32 $0xFFFFFFFE, s1  }
0xa7: {  	p0 =	sne.s32 s1, s5  }
0xa8: {  	s5 =	sshll.u32 @p0 s5, $0xE  }
0xa9: {  	s5 =	sadd.s32 @p0 $0x11B8D, s5;
	s6 =	sshll.u32 @p0 s4, $0x11  }
0xaa: {  	s5 =	sor.u32 @p0 s6, s5  }
0xab: {  	[sflag:s5] =	ssyncadd.remote.s32 @p0 $0x1;
	_ =	sdelay $0x1  }
0xac: {  	s5 =	simm.s32 @p0 $0x1B8D  }
0xad: {  	_ =	swait.eq @p0 [sflag:s5], $0x1  }
0xae: {  	[sflag:s5] =	ssyncadd.s32 @p0 $0xFFFFFFFF  }
0xaf: {  	s6 =	sshll.u32 @!p0 s1, $0xE  }
0xb0: {  	s6 =	sor.u32 @!p0 $0x4000, s6;
	s5 =	simm.s32 @!p0 $0x1B8D  }
0xb1: {  	s4 =	sshll.u32 @!p0 s4, $0x11;
	s6 =	sadd.s32 @!p0 $0x11B8D, s6;
	_ =	swait.eq @!p0 [sflag:s5], $0x1  }
0xb2: {  	s4 =	sor.u32 @!p0 s4, s6;
	[sflag:s5] =	ssyncadd.s32 @!p0 $0xFFFFFFFF  }
0xb3: {  	s25 =	simm.s32 $0x1B8E;
	s24 =	sld [smem:$0x3FFE];
	[sflag:s4] =	ssyncadd.remote.s32 @!p0 $0x1  }
0xb4: {  	s26 =	simm.s32 $execute0_lowered;
	[smem:$0x3FD2] =	sst s25  }
0xb5: {  	s5 =	sshll.u32 s26, $0x1;
	_ =	strace $0x80000049;
	[dreg:$0x1] =	wrdreg $0xFFFFFFFF  }
0xb6: {  	s28 =	simm.s32 $_size_execute0_lowered;
	s3 =	sadd.s32 s3, s5;
	[dreg:$0x0] =	wrdreg $0x0  }
0xb7: {  	s5 =	sshll.u32 s28, $0x1;
	[dreg:$0x2] =	wrdreg s3  }
0xb8: {  	[dreg:$0x3] =	wrdreg s5  }
0xb9: {  	[dreg:$0x4] =	wrdreg $0xC0  }
0xba: {  	_ =	task [dreg:s22], $0x5FFFF  }
0xbb: {  	[dreg:$0x1] =	wrdreg $0xFFFFFFFF  }
0xbc: {  	[dreg:$0x0] =	wrdreg $0x60  }
0xbd: {  	[dreg:$0x2] =	wrdreg s24  }
0xbe: {  	[dreg:$0x3] =	wrdreg $0xB  }
0xbf: {  	_ =	task.clear_ibuf [dreg:s22], $0x4FFFF;
	_ =	strace $0x90000049  }
0xc0: {  	s29 =	simm.s32 $0xB;
	_ =	strace $0x8000004B  }
0xc1: {  	_ =	swait.ge [sflag:s29], $0x1  }
0xc2: {  	[sflag:s29] =	ssyncadd.s32 $0xFFFFFFFF  }
0xc3: {  	_ =	strace $0x9000004B  }
0xc4: {  	_ =	sfence  }
0xc5: {  	s30 =	sld [smem:$0x0];
	_ =	sdelay $0x2  }
0xc6: {  	s31 =	sshll.u32 s1, $0xD;
	s1 =	sshrl.u32 s1, $0x2  }
0xc7: {  	s4 =	sand.u32 $0x4000, s31;
	s1 =	sadd.s32 s1, s30  }
0xc8: {  	s0 =	sor.u32 s4, s0;
	s1 =	sshll.u32 s1, $0x11  }
0xc9: {  	s0 =	sor.u32 s1, s0  }
0xca: {  	s0 =	sadd.s32 $0x8F2B, s0  }
0xcb: {  	[sflag:s0] =	ssyncadd.remote.s32 $0x1  }
0xcc: {  	_ =	sfence.sel $0xFFFF  }
0xcd: {  	[dreg:$0x0] =	wrdreg $0xFFFFFFFF;
	(pc) =	sbr.abs _section_cstart, $3  }
0xce: {  	[dreg:$0x1] =	wrdreg $0xFFFFFFFF  }
0xcf: {  	_ =	task.clear_ibuf [dreg:s22], $0x2FFFF;
	_ =	strace $0x9FFFFFFF  }
0xd0: {  	(tm) =	ssettm $0x7FFFFFFF  }
0xd1: {  	_ =	shalt  }
tec
execute0_lowered:
.L_overlay_start_1:
0x0: {  	(tag) =	ssettag $0x1  }
0x1: {  	s1 =	srdreg.scid  }
0x2: {  	s0 =	stileid.u32;
	s4 =	rddreg [dreg:$0x0]  }
0x3: {  	s2 =	simm.s32 $0x0;
	s11 =	simm.s32 $0x100;
	s12 =	simm.s32 $0x8A00  }
0x4: {  	s13 =	simm.s32 $0x180;
	s14 =	simm.s32 $0xCA00;
	s15 =	simm.s32 $0x200  }
0x5: {  	s16 =	simm.s32 $0x10A00;
	s17 =	simm.s32 $0x14A00;
	s18 =	simm.s32 $0x1  }
0x6: {  	s19 =	simm.s32 $0x2;
	s20 =	simm.s32 $0x0;
	s5 =	sand.u32 $0x1, s1  }
0x7: {  	s3 =	sshll.u32 s0, $0x1;
	[smem:$0x7FF] =	sst s2;
	s7 =	smul.u32 $0x14000, s0  }
0x8: {  	s3 =	sor.u32 s5, s3;
	_ =	strace $0x8000004A;
	s10 =	smul.u32 $0xA000, s5  }
0x9: {  	s8 =	ssub.s32 $0x2, s5;
	s6 =	smul.u32 $0x140, s3;
	s3 =	sadd.s32 $0x2800, s4  }
0xa: {  	s9 =	sshrl.u32 s8, $0x1;
	s30 =	sadd.s32 s7, s4;
	s7 =	simm.s32 $0x3  }
0xb: {  	s31 =	ssub.s32 s8, s9;
	s8 =	simm.s32 $0x80;
	s9 =	simm.s32 $0xA00  }
0xc: {  	s29 =	sadd.s32 s6, s4;
	s5 =	smax.u32 s31, $0x1;
	s6 =	sadd.s32 s10, s30  }
0xd: {  	s10 =	simm.s32 $0x4A00;
	s4 =	sadd.s32 $0x16D000, s29;
	s6 =	sadd.s32 $0x172000, s6  }
.LBB2_1:
0xe: {  	[tilespmem:s2], [sflag:$0x3] =	stream.linear.gather [hbm4b:s4+s2], $0xA00, $0x38;
	[tilespmem:$0x18A00] =	vst v63  }
0xf: {  	s22 =	smul.u32 $0xAB, s2  }
0x10: {  	_ =	swait.ge [sflag:s7], $0xA00  }
0x11: {  	[sflag:s7] =	ssyncset.done $0x0;
	s21 =	sadd.s32 $0x357, s22  }
0x12: {  	s23 =	simm.s32 $0x280;
	[sflag:s7] =	ssyncadd.s32 $0xFFFFF600;
	s21 =	sshrl.u32 s21, $0xA  }
0x13: {  	[tilespmem:s9], [sflag:$0x1] =	stream.indirect.gather [hbm4b:s3+s8], $0x80, s2, s8, $0xb8;
	[tilespmem:$0x18A00] =	vst v63  }
0x14: {  	p0 =	por $0x1, $0x1;
	p3 =	por $0x0, $0x0;
	s21 =	sand.u32 $0x3F, s21  }
0x15: {  	p1 =	por @!p0 $0x0, $0x0;
	s22 =	sshrl.u32 s22, $0xA;
	s21 =	smul.u32 $0x6, s21  }
0x16: {  	[tilespmem:s10], [sflag:$0x1] =	stream.indirect.gather [hbm4b:s3+s8], $0x80, s8, s8, $0xb8;
	[tilespmem:$0x18A00] =	vst v63  }
0x17: {  	p2 =	por @!p3 $0x0, $0x0;
	s22 =	sand.u32 $0x3F, s22;
	s24 =	ssub.s32 $0x0, s21  }
0x18: {  	[tilespmem:s12], [sflag:$0x1] =	stream.indirect.gather [hbm4b:s3+s8], $0x80, s11, s8, $0xb8;
	[tilespmem:$0x18A00] =	vst v63  }
0x19: {  	s28 =	smul.u32 $0x6, s22;
	s21 =	simm.s32 $0x1;
	s24 =	sadd.s32 $0x5, s24  }
0x1a: {  	p1 =	por p1, p0;
	s25 =	sand.u32 $0xFF, s24;
	s24 =	smul.u32 $0xAB, s21  }
0x1b: {  	[tilespmem:s14], [sflag:$0x1] =	stream.indirect.gather [hbm4b:s3+s8], $0x80, s13, s8, $0xb8;
	[tilespmem:$0x18A00] =	vst v63  }
0x1c: {  	p0 =	por p0, p0;
	s29 =	ssub.s32 $0x0, s28;
	s26 =	sadd.s32 $0x357, s24  }
0x1d: {  	[tilespmem:s16], [sflag:$0x1] =	stream.indirect.gather [hbm4b:s3+s8], $0x80, s15, s8, $0xb8;
	[tilespmem:$0x18A00] =	vst v63  }
0x1e: {  	p2 =	por p2, p3;
	s29 =	sand.u32 $0xFF, s29;
	s26 =	sshrl.u32 s26, $0xA  }
0x1f: {  	s22 =	sadd.s32 $0x800, s6;
	s29 =	sshll.u32 s29, $0xE;
	s26 =	sand.u32 $0x3F, s26  }
0x20: {  	[tilespmem:s17], [sflag:$0x1] =	stream.indirect.gather [hbm4b:s3+s8], $0x80, s23, s8, $0xb8;
	[tilespmem:$0x18A00] =	vst v63  }
0x21: {  	s28 =	simm.s32 @!p0 $0x2;
	s29 =	sor.u32 $0xA00, s29;
	s26 =	smul.u32 $0x6, s26  }
0x22: {  	s30 =	sshll.u32 @!p1 s25, $0xE;
	s25 =	simm.s32 $0x2;
	_ =	swait.ge [sflag:s18], $0x4000  }
0x23: {  	p1 =	por p1, p1;
	s26 =	ssub.s32 $0x1, s26;
	[sflag:s18] =	ssyncset.done $0x0  }
0x24: {  	s30 =	sor.u32 @!p1 $0xA00, s30;
	s26 =	sadd.s32 $0x5, s26;
	[sflag:s18] =	ssyncadd.s32 $0xFFFFC000  }
0x25: {  	[hbm4b:s6+s2] =	stream.linear.scatter [tilespmem:s29], [sflag:$0x2], $0x4000, $0x38;
	[tilespmem:$0x18A00] =	vst v63  }
0x26: {  	s31 =	simm.s32 @!p1 $0x80;
	s26 =	sand.u32 $0xFF, s26;
	_ =	swait.ge @!p0 [sflag:s28], $0x4000  }
0x27: {  	s29 =	sshll.u32 @!p2 s26, $0xE;
	s26 =	simm.s32 $0x300;
	[sflag:s28] =	ssyncset.done @!p0 $0x0  }
.LBB2_2:
0x28: {  	s1 =	smul.u32 $0xAB, s25  }
0x29: {  	[sflag:s28] =	ssyncadd.s32 @!p0 $0xFFFFC000;
	s28 =	smov.u32 s21;
	s21 =	smov.u32 s25  }
0x2a: {  	s25 =	sadd.s32 $0x1, s25;
	s0 =	smov.u32 s22;
	p0 =	por p3, p3  }
0x2b: {  	[tilespmem:s30], [sflag:$0x1] =	stream.indirect.gather @!p1 [hbm4b:s3+s31], $0x80, s23, s31, $0xb8;
	[tilespmem:$0x18A00] =	vst v63  }
0x2c: {  	s23 =	sshrl.u32 s24, $0xA  }
0x2d: {  	p4 =	sne.s32 s25, $0x14;
	s24 =	smov.u32 s1;
	s23 =	sand.u32 $0x3F, s23  }
0x2e: {  	s30 =	smov.u32 s29;
	s1 =	sadd.s32 $0x357, s24;
	s29 =	smul.u32 $0x6, s23  }
0x2f: {  	s22 =	sadd.s32 $0x800, s22;
	s23 =	smov.u32 s26;
	s1 =	sshrl.u32 s1, $0xA  }
0x30: {  	p1 =	por p2, p2;
	s1 =	sand.u32 $0x3F, s1;
	s29 =	ssub.s32 s28, s29  }
0x31: {  	s28 =	simm.s32 @!p0 $0x2;
	s1 =	smul.u32 $0x6, s1;
	s29 =	sand.u32 $0xFF, s29  }
0x32: {  	p3 =	seq.s32 s21, $0x0;
	_ =	swait.ge [sflag:s18], $0x4000;
	s29 =	sshll.u32 s29, $0xE  }
0x33: {  	p2 =	sgt.u32 @!p3 s21, $0xE;
	s1 =	ssub.s32 s21, s1;
	s29 =	sor.u32 $0xA00, s29  }
.Ltmp0:
0x34: {  	s1 =	sadd.s32 $0x5, s1;
	[sflag:s18] =	ssyncset.done $0x0;
	(pc) =	sbr.rel @p4 .LBB2_2-.Ltmp0, $4  }
0x35: {  	p2 =	por p2, p3;
	s1 =	sand.u32 $0xFF, s1;
	[sflag:s18] =	ssyncadd.s32 $0xFFFFC000  }
0x36: {  	[hbm4b:s0+s2] =	stream.linear.scatter [tilespmem:s29], [sflag:$0x2], $0x4000, $0x38;
	[tilespmem:$0x18A00] =	vst v63  }
0x37: {  	s26 =	sadd.s32 $0x80, s26;
	s29 =	sshll.u32 @!p2 s1, $0xE;
	_ =	swait.ge @!p0 [sflag:s28], $0x4000  }
0x38: {  	s30 =	sor.u32 @!p1 $0xA00, s30;
	s31 =	simm.s32 @!p1 $0x80;
	[sflag:s28] =	ssyncset.done @!p0 $0x0  }
0x39: {  	s0 =	sshrl.u32 s24, $0xA  }
0x3a: {  	s0 =	sand.u32 $0x3F, s0  }
0x3b: {  	[sflag:s28] =	ssyncadd.s32 @!p0 $0xFFFFC000;
	s0 =	smul.u32 $0x6, s0  }
0x3c: {  	[tilespmem:s30], [sflag:$0x1] =	stream.indirect.gather @!p1 [hbm4b:s3+s31], $0x80, s23, s31, $0xb8;
	[tilespmem:$0x18A00] =	vst v63  }
0x3d: {  	s0 =	ssub.s32 s21, s0  }
0x3e: {  	_ =	swait.ge [sflag:s18], $0x4000;
	s0 =	sand.u32 $0xFF, s0  }
0x3f: {  	p0 =	por p3, p3;
	[sflag:s18] =	ssyncset.done $0x0;
	s0 =	sshll.u32 s0, $0xE  }
0x40: {  	s1 =	simm.s32 @!p0 $0x2;
	[sflag:s18] =	ssyncadd.s32 $0xFFFFC000;
	s0 =	sor.u32 $0xA00, s0  }
0x41: {  	[hbm4b:s22+s2] =	stream.linear.scatter [tilespmem:s0], [sflag:$0x2], $0x4000, $0x38;
	[tilespmem:$0x18A00] =	vst v63  }
0x42: {  	_ =	swait.ge @!p0 [sflag:s1], $0x4000  }
0x43: {  	s20 =	sadd.s32 $0x1, s20;
	[sflag:s1] =	ssyncset.done @!p0 $0x0  }
0x44: {  	p1 =	por p2, p2;
	[sflag:s1] =	ssyncadd.s32 @!p0 $0xFFFFC000;
	p0 =	sne.s32 s20, s5  }
.Ltmp1:
0x45: {  	s21 =	simm.s32 @!p1 $0x80;
	s0 =	sor.u32 @!p1 $0xA00, s29;
	(pc) =	sbr.rel @p0 .LBB2_1-.Ltmp1, $4  }
0x46: {  	[tilespmem:s0], [sflag:$0x1] =	stream.indirect.gather @!p1 [hbm4b:s3+s21], $0x80, s26, s21, $0xb8;
	[tilespmem:$0x18A00] =	vst v63  }
0x47: {  	_ =	swait.ge [sflag:s19], $0x4000  }
0x48: {  	[sflag:s19] =	ssyncset.done $0x0  }
0x49: {  	[sflag:s19] =	ssyncadd.s32 $0xFFFFC000  }
0x4a: {  	_ =	sfence.sel $0x180000  }
0x4b: {  	[bflag:$0x0] =	sbarrier.arrive $0xFFFF  }
0x4c: {  	_ =	strace $0x9000004A  }
0x4d: {  	s0 =	stileid.u32;
	[bflag:$0x2] =	sbarrier.arrive $0xFFFF  }
0x4e: {  	p0 =	sne.s32 s0, $0x0;
	s0 =	rddreg [dreg:$0x1]  }
0x4f: {  	s0 =	sadd.s32 @!p0 $0x100000, s0  }
0x50: {  	[sflag:s0] =	ssyncadd.tile.s32 @!p0 $0x1;
	_ =	shalt  }
.Lfunc_end2:
_tile_overlayer_lowered:
.L_overlay_start_2:
0x51: {  	(tag) =	ssettag $0x2  }
0x52: {  	s0 =	rddreg [dreg:$0x0];
	s2 =	stileid.u32  }
0x53: {  	s1 =	rddreg [dreg:$0x1];
	p0 =	sne.s32 s2, $0x0  }
0x54: {  	s3 =	rddreg [dreg:$0x2];
	[bflag:$0x3] =	sbarrier.arrive $0xFFFF;
	s2 =	simm.s32 @!p0 $0x1C03  }
0x55: {  	[timem:s3], [sflag:s2] =	dma.local @!p0 [hbm:s0], s1  }
0x56: {  	s0 =	simm.s32 @!p0 $0x3  }
0x57: {  	_ =	swait.ge @!p0 [sflag:s0], s1  }
0x58: {  	s1 =	ssub.s32 @!p0 $0x0, s1;
	[sflag:s0] =	ssyncset.done @!p0 $0x0  }
0x59: {  	[sflag:s0] =	ssyncadd.s32 @!p0 s1  }
0x5a: {  	[bflag:$0x3] =	sbarrier.arrive $0xFFFF  }
0x5b: {  	_ =	shalt  }

// kernel: kernel.20.cloned.1.call-start
scs
__scs_entry_jumppad:
0x0: {  	(pc) =	sbr.rel $0x88, $3  }
0x1: {  	(tag) =	ssettag $0x0;
	lr =	simm.s32 $0x1  }
0x2: {  	[smem:$0x3F9F] =	sst lr;
	_ =	strace $0xD0000000  }
0x3: {  	_ = 	snop  }
0x4: {  	_ = 	snop  }
0x5: {  	_ = 	snop  }
0x6: {  	_ = 	snop  }
0x7: {  	_ = 	snop  }
__scs_overlays_trampoline_lowered:
0x8: {  	[smem:$0x3FAE] =	sst s0  }
0x9: {  	[smem:$0x3FAF] =	sst s1  }
0xa: {  	[smem:$0x3FB0] =	sst s2  }
0xb: {  	[smem:$0x3FB1] =	sst s3  }
0xc: {  	[smem:$0x3FB2] =	sst s4  }
0xd: {  	[smem:$0x3FB3] =	sst s5  }
0xe: {  	[smem:$0x3FB4] =	sst s6  }
0xf: {  	[smem:$0x3FB5] =	sst s7  }
0x10: {  	[smem:$0x3FB6] =	sst s8  }
0x11: {  	[smem:$0x3FB7] =	sst s9;
	s0 =	simm.s32 @!p0 $0x0  }
0x12: {  	s1 =	sld [smem:$0x3F9D];
	s0 =	simm.s32 @p0 $0x1  }
0x13: {  	[smem:$0x3FB8] =	sst s0;
	s0 =	simm.s32 @!p1 $0x0  }
0x14: {  	s2 =	sld [smem:$0x3F9C];
	s0 =	simm.s32 @p1 $0x1  }
0x15: {  	[smem:$0x3FB9] =	sst s0;
	s0 =	simm.s32 @!p2 $0x0  }
0x16: {  	s3 =	sld [smem:$0x3FDB];
	s0 =	simm.s32 @p2 $0x1  }
0x17: {  	s4 =	simm.s32 $0x1BF5;
	[smem:$0x3FBB] =	sst s0  }
0x18: {  	s0 =	sld [smem:$0x3F9E];
	_ =	swait.ge [sflag:s4], $0x0  }
0x19: {  	s7 =	sld [smem:$0x3F9F]  }
0x1a: {  	s8 =	sadd.s32 $0xFFFFE003, lr  }
0x1b: {  	s9 =	sadd.s32 $0xFFFFFEF7, lr;
	s5 =	simm.s32 $0xFFFFFFFF;
	p2 =	slt.u32 s8, $0xFFFFF086  }
0x1c: {  	p1 =	slt.u32 s9, $0xF7A;
	s5 =	simm.s32 @!p2 $0x0  }
0x1d: {  	s5 =	simm.s32 @p1 $0x1;
	p0 =	seq.s32 s7, s2  }
0x1e: {  	s7 =	smul.u32 @!p0 $0xF7A, s2;
	p2 =	seq.s32 @!p0 s5, $0x0  }
0x1f: {  	s9 =	smul.u32 $0xF7A, s1;
	s8 =	simm.s32 @!p0 $0x1BF5;
	p2 =	por !p2, p0  }
0x20: {  	[sflag:s8] =	ssyncset.s32 @!p0 $0xFFFFF086;
	s6 =	sadd.s32 @!p0 s3, s7;
	s7 =	simm.s32 @!p0 $0x108  }
0x21: {  	s3 =	sadd.s32 s3, s9;
	s6 =	sadd.s32 @!p0 $0x88, s6;
	s7 =	simm.s32 @p2 $0x1082  }
0x22: {  	[simem:s7], [sflag:s8] =	dma.local @!p0 [hbm:s6], $0xF7A  }
0x23: {  	s9 =	sor.u32 $0xD0000000, s2;
	s6 =	simm.s32 $0x108;
	_ =	swait.ge @!p0 [sflag:s8], $0x0  }
0x24: {  	s3 =	sadd.s32 $0x88, s3;
	s6 =	simm.s32 @!p1 $0x1082;
	[sflag:s4] =	ssyncset.s32 $0xFFFFF086  }
0x25: {  	[simem:s6], [sflag:s4] =	dma.local [hbm:s3], $0xF7A  }
0x26: {  	[smem:$0x3F9F] =	sst s1;
	(tag) =	ssettag s2;
	_ =	strace s9  }
0x27: {  	s1 =	sld [smem:$0x3FAF]  }
0x28: {  	s2 =	sld [smem:$0x3FB0]  }
0x29: {  	s4 =	sld [smem:$0x3FB2]  }
0x2a: {  	p0 =	seq.s32 s5, $0x0;
	s5 =	sld [smem:$0x3FB3]  }
0x2b: {  	s6 =	sld [smem:$0x3FB4]  }
0x2c: {  	s7 =	sld [smem:$0x3FB5]  }
0x2d: {  	s3 =	simm.s32 $0x108;
	s8 =	sld [smem:$0x3FB6]  }
0x2e: {  	s3 =	simm.s32 @!p0 $0x1082;
	s9 =	sld [smem:$0x3FB7]  }
0x2f: {  	lr =	sadd.s32 s0, s3;
	s0 =	sld [smem:$0x3FAE]  }
0x30: {  	s3 =	sld [smem:$0x3FB1]  }
0x31: {  	[smem:$0x3FBA] =	sst s10  }
0x32: {  	s10 =	sld [smem:$0x3FB8];
	_ =	sdelay $0x3  }
0x33: {  	p0 =	seq.s32 s10, $0x1;
	s10 =	sld [smem:$0x3FBA];
	_ =	sdelay $0x3  }
0x34: {  	[smem:$0x3FBA] =	sst s10  }
0x35: {  	s10 =	sld [smem:$0x3FB9];
	_ =	sdelay $0x3  }
0x36: {  	p1 =	seq.s32 s10, $0x1;
	s10 =	sld [smem:$0x3FBA];
	_ =	sdelay $0x3  }
0x37: {  	[smem:$0x3FBA] =	sst s10  }
0x38: {  	s10 =	sld [smem:$0x3FBB]  }
0x39: {  	_ = 	snop;
	(pc) =	sbr.ind lr, $3  }
0x3a: {  	_ = 	snop  }
0x3b: {  	_ = 	snop  }
0x3c: {  	p2 =	seq.s32 s10, $0x1;
	s10 =	sld [smem:$0x3FBA]  }
0x3d: {  	_ =	shalt  }
0x3e: {  	_ =	shalt  }
0x3f: {  	_ =	shalt  }
0x40: {  	_ =	shalt  }
0x41: {  	_ =	shalt  }
0x42: {  	_ =	shalt  }
0x43: {  	_ =	shalt  }
0x44: {  	_ =	shalt  }
0x45: {  	_ =	shalt  }
0x46: {  	_ =	shalt  }
0x47: {  	_ =	shalt  }
0x48: {  	_ =	shalt  }
0x49: {  	_ =	shalt  }
0x4a: {  	_ =	shalt  }
0x4b: {  	_ =	shalt  }
0x4c: {  	_ =	shalt  }
0x4d: {  	_ =	shalt  }
0x4e: {  	_ =	shalt  }
0x4f: {  	_ =	shalt  }
0x50: {  	_ =	shalt  }
0x51: {  	_ =	shalt  }
0x52: {  	_ =	shalt  }
0x53: {  	_ =	shalt  }
0x54: {  	_ =	shalt  }
0x55: {  	_ =	shalt  }
0x56: {  	_ =	shalt  }
0x57: {  	_ =	shalt  }
0x58: {  	_ =	shalt  }
0x59: {  	_ =	shalt  }
0x5a: {  	_ =	shalt  }
0x5b: {  	_ =	shalt  }
0x5c: {  	_ =	shalt  }
0x5d: {  	_ =	shalt  }
0x5e: {  	_ =	shalt  }
0x5f: {  	_ =	shalt  }
0x60: {  	_ =	shalt  }
0x61: {  	_ =	shalt  }
0x62: {  	_ =	shalt  }
0x63: {  	_ =	shalt  }
0x64: {  	_ =	shalt  }
0x65: {  	_ =	shalt  }
0x66: {  	_ =	shalt  }
0x67: {  	_ =	shalt  }
0x68: {  	_ =	shalt  }
0x69: {  	_ =	shalt  }
0x6a: {  	_ =	shalt  }
0x6b: {  	_ =	shalt  }
0x6c: {  	_ =	shalt  }
0x6d: {  	_ =	shalt  }
0x6e: {  	_ =	shalt  }
0x6f: {  	_ =	shalt  }
0x70: {  	_ =	shalt  }
0x71: {  	_ =	shalt  }
0x72: {  	_ =	shalt  }
0x73: {  	_ =	shalt  }
0x74: {  	_ =	shalt  }
0x75: {  	_ =	shalt  }
0x76: {  	_ =	shalt  }
0x77: {  	_ =	shalt  }
0x78: {  	_ =	shalt  }
0x79: {  	_ =	shalt  }
0x7a: {  	_ =	shalt  }
0x7b: {  	_ =	shalt  }
0x7c: {  	_ =	shalt  }
0x7d: {  	_ =	shalt  }
0x7e: {  	_ =	shalt  }
0x7f: {  	_ =	shalt  }
0x80: {  	_ =	shalt  }
0x81: {  	_ =	shalt  }
0x82: {  	_ =	shalt  }
0x83: {  	_ =	shalt  }
0x84: {  	_ =	shalt  }
0x85: {  	_ =	shalt  }
0x86: {  	_ =	shalt  }
0x87: {  	_ =	shalt  }
.Lfunc_end0:
.L_simem_size_0:
called_computation.3_lowered:
.L_overlay_start_0:
0x88: {  	s2 =	sld [smem:$0x3FD9]  }
0x89: {  	s3 =	sld [smem:$0x3FFE];
	_ =	sdelay $0x1  }
0x8a: {  	s1 =	srdreg.scid  }
0x8b: {  	s0 =	sand.u32 $0x1, s1  }
0x8c: {  	s17 =	sshll.u32 s0, $0xA;
	s2 =	sadd.s32 s3, s2  }
0x8d: {  	s2 =	sadd.s32 s2, s17  }
0x8e: {  	[smem:$0x3FC6] =	sst s2  }
0x8f: {  	_ = 	snop  }
0x90: {  	(tm) =	ssettm $0x1  }
0x91: {  	s18 =	sld [smem:$0x3FFB];
	_ =	sdelay $0x3  }
0x92: {  	_ =	strace s18  }
0x93: {  	s2 =	sld [smem:$0x3FFC];
	_ =	sdelay $0x3  }
0x94: {  	_ =	strace s2  }
0x95: {  	s2 =	sld [smem:$0x3FFD];
	_ =	sdelay $0x3  }
0x96: {  	_ =	strace s2  }
0x97: {  	_ =	strace $0x8FFFFFFF  }
0x98: {  	s19 =	sld [smem:$0x3FDB];
	_ =	sdelay $0x1  }
0x99: {  	s20 =	simm.s32 $_scs_section_size  }
0x9a: {  	s4 =	simm.s32 $_size__tile_overlayer_lowered;
	s5 =	simm.s32 $_tile_overlayer_lowered  }
0x9b: {  	s6 =	simm.s32 $0x1BFF;
	s21 =	sshll.u32 s5, $0x1;
	s3 =	sadd.s32 s20, s19  }
0x9c: {  	s22 =	simm.s32 $0x0;
	s4 =	sshll.u32 s4, $0x1;
	s5 =	sadd.s32 s21, s3  }
0x9d: {  	[timem:s22], [sflag:s6] =	dma.local [hbm:s5], s4  }
0x9e: {  	_ =	swait.ge [sflag:s6], s4  }
0x9f: {  	s4 =	ssub.s32 $0x0, s4;
	[sflag:s6] =	ssyncset.done $0x0  }
0xa0: {  	[sflag:s6] =	ssyncadd.s32 s4;
	_ =	sdelay $0x1  }
0xa1: {  	s23 =	simm.s32 $0x1B8B  }
0xa2: {  	_ =	swait.ge [sflag:s23], $0x1  }
0xa3: {  	[sflag:s23] =	ssyncset.done $0x0  }
0xa4: {  	[sflag:s23] =	ssyncadd.s32 $0xFFFFFFFF  }
0xa5: {  	s4 =	sld [smem:$0x0]  }
0xa6: {  	s5 =	sand.u32 $0xFFFFFFFE, s1  }
0xa7: {  	p0 =	sne.s32 s1, s5  }
0xa8: {  	s5 =	sshll.u32 @p0 s5, $0xE  }
0xa9: {  	s5 =	sadd.s32 @p0 $0x11B8D, s5;
	s6 =	sshll.u32 @p0 s4, $0x11  }
0xaa: {  	s5 =	sor.u32 @p0 s6, s5  }
0xab: {  	[sflag:s5] =	ssyncadd.remote.s32 @p0 $0x1;
	_ =	sdelay $0x1  }
0xac: {  	s5 =	simm.s32 @p0 $0x1B8D  }
0xad: {  	_ =	swait.eq @p0 [sflag:s5], $0x1  }
0xae: {  	[sflag:s5] =	ssyncadd.s32 @p0 $0xFFFFFFFF  }
0xaf: {  	s6 =	sshll.u32 @!p0 s1, $0xE  }
0xb0: {  	s6 =	sor.u32 @!p0 $0x4000, s6;
	s5 =	simm.s32 @!p0 $0x1B8D  }
0xb1: {  	s4 =	sshll.u32 @!p0 s4, $0x11;
	s6 =	sadd.s32 @!p0 $0x11B8D, s6;
	_ =	swait.eq @!p0 [sflag:s5], $0x1  }
0xb2: {  	s4 =	sor.u32 @!p0 s4, s6;
	[sflag:s5] =	ssyncadd.s32 @!p0 $0xFFFFFFFF  }
0xb3: {  	s25 =	simm.s32 $0x1B8E;
	s24 =	sld [smem:$0x3FFE];
	[sflag:s4] =	ssyncadd.remote.s32 @!p0 $0x1  }
0xb4: {  	s26 =	simm.s32 $execute0_lowered;
	[smem:$0x3FD2] =	sst s25  }
0xb5: {  	s5 =	sshll.u32 s26, $0x1;
	_ =	strace $0x8000004F;
	[dreg:$0x1] =	wrdreg $0xFFFFFFFF  }
0xb6: {  	s28 =	simm.s32 $_size_execute0_lowered;
	s3 =	sadd.s32 s3, s5;
	[dreg:$0x0] =	wrdreg $0x0  }
0xb7: {  	s5 =	sshll.u32 s28, $0x1;
	[dreg:$0x2] =	wrdreg s3  }
0xb8: {  	[dreg:$0x3] =	wrdreg s5  }
0xb9: {  	[dreg:$0x4] =	wrdreg $0xC0  }
0xba: {  	_ =	task [dreg:s22], $0x5FFFF  }
0xbb: {  	[dreg:$0x1] =	wrdreg $0xFFFFFFFF  }
0xbc: {  	[dreg:$0x0] =	wrdreg $0x60  }
0xbd: {  	[dreg:$0x2] =	wrdreg s24  }
0xbe: {  	[dreg:$0x3] =	wrdreg $0xC  }
0xbf: {  	_ =	task.clear_ibuf [dreg:s22], $0x4FFFF;
	_ =	strace $0x9000004F  }
0xc0: {  	s29 =	simm.s32 $0xC;
	_ =	strace $0x80000051  }
0xc1: {  	_ =	swait.ge [sflag:s29], $0x1  }
0xc2: {  	[sflag:s29] =	ssyncadd.s32 $0xFFFFFFFF  }
0xc3: {  	_ =	strace $0x90000051  }
0xc4: {  	_ =	sfence  }
0xc5: {  	s30 =	sld [smem:$0x0];
	_ =	sdelay $0x2  }
0xc6: {  	s31 =	sshll.u32 s1, $0xD;
	s1 =	sshrl.u32 s1, $0x2  }
0xc7: {  	s4 =	sand.u32 $0x4000, s31;
	s1 =	sadd.s32 s1, s30  }
0xc8: {  	s0 =	sor.u32 s4, s0;
	s1 =	sshll.u32 s1, $0x11  }
0xc9: {  	s0 =	sor.u32 s1, s0  }
0xca: {  	s0 =	sadd.s32 $0x8F2B, s0  }
0xcb: {  	[sflag:s0] =	ssyncadd.remote.s32 $0x1  }
0xcc: {  	_ =	sfence.sel $0xFFFF  }
0xcd: {  	[dreg:$0x0] =	wrdreg $0xFFFFFFFF;
	(pc) =	sbr.abs _section_cstart, $3  }
0xce: {  	[dreg:$0x1] =	wrdreg $0xFFFFFFFF  }
0xcf: {  	_ =	task.clear_ibuf [dreg:s22], $0x2FFFF;
	_ =	strace $0x9FFFFFFF  }
0xd0: {  	(tm) =	ssettm $0x7FFFFFFF  }
0xd1: {  	_ =	shalt  }
tec
execute0_lowered:
.L_overlay_start_1:
0x0: {  	(tag) =	ssettag $0x1  }
0x1: {  	s1 =	srdreg.scid  }
0x2: {  	s0 =	stileid.u32;
	s4 =	rddreg [dreg:$0x0]  }
0x3: {  	s2 =	simm.s32 $0x0;
	s11 =	simm.s32 $0x100;
	s12 =	simm.s32 $0x8A00  }
0x4: {  	s13 =	simm.s32 $0x180;
	s14 =	simm.s32 $0xCA00;
	s15 =	simm.s32 $0x200  }
0x5: {  	s16 =	simm.s32 $0x10A00;
	s17 =	simm.s32 $0x14A00;
	s18 =	simm.s32 $0x1  }
0x6: {  	s19 =	simm.s32 $0x2;
	s20 =	simm.s32 $0x0;
	s5 =	sand.u32 $0x1, s1  }
0x7: {  	s3 =	sshll.u32 s0, $0x1;
	[smem:$0x7FF] =	sst s2;
	s7 =	smul.u32 $0x14000, s0  }
0x8: {  	s3 =	sor.u32 s5, s3;
	_ =	strace $0x80000050;
	s10 =	smul.u32 $0xA000, s5  }
0x9: {  	s8 =	ssub.s32 $0x2, s5;
	s6 =	smul.u32 $0x140, s3;
	s3 =	sadd.s32 $0x2800, s4  }
0xa: {  	s9 =	sshrl.u32 s8, $0x1;
	s30 =	sadd.s32 s7, s4;
	s7 =	simm.s32 $0x3  }
0xb: {  	s31 =	ssub.s32 s8, s9;
	s8 =	simm.s32 $0x80;
	s9 =	simm.s32 $0xA00  }
0xc: {  	s29 =	sadd.s32 s6, s4;
	s5 =	smax.u32 s31, $0x1;
	s6 =	sadd.s32 s10, s30  }
0xd: {  	s10 =	simm.s32 $0x4A00;
	s4 =	sadd.s32 $0x16F800, s29;
	s6 =	sadd.s32 $0x3F2000, s6  }
.LBB2_1:
0xe: {  	[tilespmem:s2], [sflag:$0x3] =	stream.linear.gather [hbm4b:s4+s2], $0xA00, $0x38;
	[tilespmem:$0x18A00] =	vst v63  }
0xf: {  	s22 =	smul.u32 $0xAB, s2  }
0x10: {  	_ =	swait.ge [sflag:s7], $0xA00  }
0x11: {  	[sflag:s7] =	ssyncset.done $0x0;
	s21 =	sadd.s32 $0x357, s22  }
0x12: {  	s23 =	simm.s32 $0x280;
	[sflag:s7] =	ssyncadd.s32 $0xFFFFF600;
	s21 =	sshrl.u32 s21, $0xA  }
0x13: {  	[tilespmem:s9], [sflag:$0x1] =	stream.indirect.gather [hbm4b:s3+s8], $0x80, s2, s8, $0xb8;
	[tilespmem:$0x18A00] =	vst v63  }
0x14: {  	p0 =	por $0x1, $0x1;
	p3 =	por $0x0, $0x0;
	s21 =	sand.u32 $0x3F, s21  }
0x15: {  	p1 =	por @!p0 $0x0, $0x0;
	s22 =	sshrl.u32 s22, $0xA;
	s21 =	smul.u32 $0x6, s21  }
0x16: {  	[tilespmem:s10], [sflag:$0x1] =	stream.indirect.gather [hbm4b:s3+s8], $0x80, s8, s8, $0xb8;
	[tilespmem:$0x18A00] =	vst v63  }
0x17: {  	p2 =	por @!p3 $0x0, $0x0;
	s22 =	sand.u32 $0x3F, s22;
	s24 =	ssub.s32 $0x0, s21  }
0x18: {  	[tilespmem:s12], [sflag:$0x1] =	stream.indirect.gather [hbm4b:s3+s8], $0x80, s11, s8, $0xb8;
	[tilespmem:$0x18A00] =	vst v63  }
0x19: {  	s28 =	smul.u32 $0x6, s22;
	s21 =	simm.s32 $0x1;
	s24 =	sadd.s32 $0x5, s24  }
0x1a: {  	p1 =	por p1, p0;
	s25 =	sand.u32 $0xFF, s24;
	s24 =	smul.u32 $0xAB, s21  }
0x1b: {  	[tilespmem:s14], [sflag:$0x1] =	stream.indirect.gather [hbm4b:s3+s8], $0x80, s13, s8, $0xb8;
	[tilespmem:$0x18A00] =	vst v63  }
0x1c: {  	p0 =	por p0, p0;
	s29 =	ssub.s32 $0x0, s28;
	s26 =	sadd.s32 $0x357, s24  }
0x1d: {  	[tilespmem:s16], [sflag:$0x1] =	stream.indirect.gather [hbm4b:s3+s8], $0x80, s15, s8, $0xb8;
	[tilespmem:$0x18A00] =	vst v63  }
0x1e: {  	p2 =	por p2, p3;
	s29 =	sand.u32 $0xFF, s29;
	s26 =	sshrl.u32 s26, $0xA  }
0x1f: {  	s22 =	sadd.s32 $0x800, s6;
	s29 =	sshll.u32 s29, $0xE;
	s26 =	sand.u32 $0x3F, s26  }
0x20: {  	[tilespmem:s17], [sflag:$0x1] =	stream.indirect.gather [hbm4b:s3+s8], $0x80, s23, s8, $0xb8;
	[tilespmem:$0x18A00] =	vst v63  }
0x21: {  	s28 =	simm.s32 @!p0 $0x2;
	s29 =	sor.u32 $0xA00, s29;
	s26 =	smul.u32 $0x6, s26  }
0x22: {  	s30 =	sshll.u32 @!p1 s25, $0xE;
	s25 =	simm.s32 $0x2;
	_ =	swait.ge [sflag:s18], $0x4000  }
0x23: {  	p1 =	por p1, p1;
	s26 =	ssub.s32 $0x1, s26;
	[sflag:s18] =	ssyncset.done $0x0  }
0x24: {  	s30 =	sor.u32 @!p1 $0xA00, s30;
	s26 =	sadd.s32 $0x5, s26;
	[sflag:s18] =	ssyncadd.s32 $0xFFFFC000  }
0x25: {  	[hbm4b:s6+s2] =	stream.linear.scatter [tilespmem:s29], [sflag:$0x2], $0x4000, $0x38;
	[tilespmem:$0x18A00] =	vst v63  }
0x26: {  	s31 =	simm.s32 @!p1 $0x80;
	s26 =	sand.u32 $0xFF, s26;
	_ =	swait.ge @!p0 [sflag:s28], $0x4000  }
0x27: {  	s29 =	sshll.u32 @!p2 s26, $0xE;
	s26 =	simm.s32 $0x300;
	[sflag:s28] =	ssyncset.done @!p0 $0x0  }
.LBB2_2:
0x28: {  	s1 =	smul.u32 $0xAB, s25  }
0x29: {  	[sflag:s28] =	ssyncadd.s32 @!p0 $0xFFFFC000;
	s28 =	smov.u32 s21;
	s21 =	smov.u32 s25  }
0x2a: {  	s25 =	sadd.s32 $0x1, s25;
	s0 =	smov.u32 s22;
	p0 =	por p3, p3  }
0x2b: {  	[tilespmem:s30], [sflag:$0x1] =	stream.indirect.gather @!p1 [hbm4b:s3+s31], $0x80, s23, s31, $0xb8;
	[tilespmem:$0x18A00] =	vst v63  }
0x2c: {  	s23 =	sshrl.u32 s24, $0xA  }
0x2d: {  	p4 =	sne.s32 s25, $0x14;
	s24 =	smov.u32 s1;
	s23 =	sand.u32 $0x3F, s23  }
0x2e: {  	s30 =	smov.u32 s29;
	s1 =	sadd.s32 $0x357, s24;
	s29 =	smul.u32 $0x6, s23  }
0x2f: {  	s22 =	sadd.s32 $0x800, s22;
	s23 =	smov.u32 s26;
	s1 =	sshrl.u32 s1, $0xA  }
0x30: {  	p1 =	por p2, p2;
	s1 =	sand.u32 $0x3F, s1;
	s29 =	ssub.s32 s28, s29  }
0x31: {  	s28 =	simm.s32 @!p0 $0x2;
	s1 =	smul.u32 $0x6, s1;
	s29 =	sand.u32 $0xFF, s29  }
0x32: {  	p3 =	seq.s32 s21, $0x0;
	_ =	swait.ge [sflag:s18], $0x4000;
	s29 =	sshll.u32 s29, $0xE  }
0x33: {  	p2 =	sgt.u32 @!p3 s21, $0xE;
	s1 =	ssub.s32 s21, s1;
	s29 =	sor.u32 $0xA00, s29  }
.Ltmp0:
0x34: {  	s1 =	sadd.s32 $0x5, s1;
	[sflag:s18] =	ssyncset.done $0x0;
	(pc) =	sbr.rel @p4 .LBB2_2-.Ltmp0, $4  }
0x35: {  	p2 =	por p2, p3;
	s1 =	sand.u32 $0xFF, s1;
	[sflag:s18] =	ssyncadd.s32 $0xFFFFC000  }
0x36: {  	[hbm4b:s0+s2] =	stream.linear.scatter [tilespmem:s29], [sflag:$0x2], $0x4000, $0x38;
	[tilespmem:$0x18A00] =	vst v63  }
0x37: {  	s26 =	sadd.s32 $0x80, s26;
	s29 =	sshll.u32 @!p2 s1, $0xE;
	_ =	swait.ge @!p0 [sflag:s28], $0x4000  }
0x38: {  	s30 =	sor.u32 @!p1 $0xA00, s30;
	s31 =	simm.s32 @!p1 $0x80;
	[sflag:s28] =	ssyncset.done @!p0 $0x0  }
0x39: {  	s0 =	sshrl.u32 s24, $0xA  }
0x3a: {  	s0 =	sand.u32 $0x3F, s0  }
0x3b: {  	[sflag:s28] =	ssyncadd.s32 @!p0 $0xFFFFC000;
	s0 =	smul.u32 $0x6, s0  }
0x3c: {  	[tilespmem:s30], [sflag:$0x1] =	stream.indirect.gather @!p1 [hbm4b:s3+s31], $0x80, s23, s31, $0xb8;
	[tilespmem:$0x18A00] =	vst v63  }
0x3d: {  	s0 =	ssub.s32 s21, s0  }
0x3e: {  	_ =	swait.ge [sflag:s18], $0x4000;
	s0 =	sand.u32 $0xFF, s0  }
0x3f: {  	p0 =	por p3, p3;
	[sflag:s18] =	ssyncset.done $0x0;
	s0 =	sshll.u32 s0, $0xE  }
0x40: {  	s1 =	simm.s32 @!p0 $0x2;
	[sflag:s18] =	ssyncadd.s32 $0xFFFFC000;
	s0 =	sor.u32 $0xA00, s0  }
0x41: {  	[hbm4b:s22+s2] =	stream.linear.scatter [tilespmem:s0], [sflag:$0x2], $0x4000, $0x38;
	[tilespmem:$0x18A00] =	vst v63  }
0x42: {  	_ =	swait.ge @!p0 [sflag:s1], $0x4000  }
0x43: {  	s20 =	sadd.s32 $0x1, s20;
	[sflag:s1] =	ssyncset.done @!p0 $0x0  }
0x44: {  	p1 =	por p2, p2;
	[sflag:s1] =	ssyncadd.s32 @!p0 $0xFFFFC000;
	p0 =	sne.s32 s20, s5  }
.Ltmp1:
0x45: {  	s21 =	simm.s32 @!p1 $0x80;
	s0 =	sor.u32 @!p1 $0xA00, s29;
	(pc) =	sbr.rel @p0 .LBB2_1-.Ltmp1, $4  }
0x46: {  	[tilespmem:s0], [sflag:$0x1] =	stream.indirect.gather @!p1 [hbm4b:s3+s21], $0x80, s26, s21, $0xb8;
	[tilespmem:$0x18A00] =	vst v63  }
0x47: {  	_ =	swait.ge [sflag:s19], $0x4000  }
0x48: {  	[sflag:s19] =	ssyncset.done $0x0  }
0x49: {  	[sflag:s19] =	ssyncadd.s32 $0xFFFFC000  }
0x4a: {  	_ =	sfence.sel $0x180000  }
0x4b: {  	[bflag:$0x0] =	sbarrier.arrive $0xFFFF  }
0x4c: {  	_ =	strace $0x90000050  }
0x4d: {  	s0 =	stileid.u32;
	[bflag:$0x2] =	sbarrier.arrive $0xFFFF  }
0x4e: {  	p0 =	sne.s32 s0, $0x0;
	s0 =	rddreg [dreg:$0x1]  }
0x4f: {  	s0 =	sadd.s32 @!p0 $0x100000, s0  }
0x50: {  	[sflag:s0] =	ssyncadd.tile.s32 @!p0 $0x1;
	_ =	shalt  }
.Lfunc_end2:
_tile_overlayer_lowered:
.L_overlay_start_2:
0x51: {  	(tag) =	ssettag $0x2  }
0x52: {  	s0 =	rddreg [dreg:$0x0];
	s2 =	stileid.u32  }
0x53: {  	s1 =	rddreg [dreg:$0x1];
	p0 =	sne.s32 s2, $0x0  }
0x54: {  	s3 =	rddreg [dreg:$0x2];
	[bflag:$0x3] =	sbarrier.arrive $0xFFFF;
	s2 =	simm.s32 @!p0 $0x1C03  }
0x55: {  	[timem:s3], [sflag:s2] =	dma.local @!p0 [hbm:s0], s1  }
0x56: {  	s0 =	simm.s32 @!p0 $0x3  }
0x57: {  	_ =	swait.ge @!p0 [sflag:s0], s1  }
0x58: {  	s1 =	ssub.s32 @!p0 $0x0, s1;
	[sflag:s0] =	ssyncset.done @!p0 $0x0  }
0x59: {  	[sflag:s0] =	ssyncadd.s32 @!p0 s1  }
0x5a: {  	[bflag:$0x3] =	sbarrier.arrive $0xFFFF  }
0x5b: {  	_ =	shalt  }

</sc_bundles>
